<compile_context>
chip_gen: v7x
topology: tpu7x:2x2x1
jax: 0.10.2.dev20260603
libtpu: 0.0.44.dev20260713+nightly
codegen_flags: <defaults>
</compile_context>

<pallas_src>
import functools

import jax
import jax.numpy as jnp
from jax import lax
from jax.experimental import pallas as pl
from jax.experimental.pallas import tpu as pltpu
from jax.experimental.pallas import tpu_sc as plsc

N_OUT = 2500
N_OUT_PAD = 2560
IN_BITS = 14


def _sc_segment_sum(F2, stream):
    R, N = F2.shape
    K_PAD = stream.shape[0]
    CHB = K_PAD // 16
    assert K_PAD % 16 == 0

    info = plsc.get_sparse_core_info()
    NC = info.num_cores
    NW = NC * info.num_subcores
    RW = R // NW
    assert R % NW == 0 and RW % 4 == 0
    NP2 = RW // 4

    mesh = plsc.VectorSubcoreMesh(core_axis_name="c", subcore_axis_name="s")

    @functools.partial(
        pl.kernel,
        mesh=mesh,
        compiler_params=pltpu.CompilerParams(needs_layout_passes=False),
        out_type=jax.ShapeDtypeStruct((R, N_OUT_PAD), jnp.float32),
        scratch_types=[
            pltpu.VMEM((K_PAD,), jnp.int32),
            pltpu.VMEM((N,), jnp.float32),
            pltpu.VMEM((N,), jnp.float32),
            pltpu.VMEM((N,), jnp.float32),
            pltpu.VMEM((N,), jnp.float32),
            pltpu.VMEM((N_OUT_PAD,), jnp.float32),
            pltpu.VMEM((N_OUT_PAD,), jnp.float32),
            pltpu.VMEM((N_OUT_PAD,), jnp.float32),
            pltpu.VMEM((N_OUT_PAD,), jnp.float32),
            pltpu.SemaphoreType.DMA,
            pltpu.SemaphoreType.DMA,
        ],
    )
    def seg_kernel(f_hbm, st_hbm, s_hbm, st_v, fv0, fv1, fv2, fv3,
                   av0, av1, av2, av3, sem_f, sem_s):
        fv = [fv0, fv1, fv2, fv3]
        av = [av0, av1, av2, av3]
        wid = lax.axis_index("s") * NC + lax.axis_index("c")
        base = wid * RW
        pltpu.sync_copy(st_hbm, st_v)

        mask_in = jnp.full((16,), (1 << IN_BITS) - 1, jnp.int32)
        lane_off = jnp.arange(16, dtype=jnp.int32) * CHB
        zeros16 = jnp.zeros((16,), jnp.float32)

        def do_pair(fs, as_, row0):
            @plsc.parallel_loop(0, N_OUT_PAD // 16, 1, unroll=4)
            def _(i):
                av[as_][pl.ds(i * 16, 16)] = zeros16
                av[as_ + 1][pl.ds(i * 16, 16)] = zeros16

            @plsc.parallel_loop(0, CHB, 1, unroll=12)
            def _(c):
                pk = plsc.load_gather(st_v, [lane_off + c])
                iv = lax.bitwise_and(pk, mask_in)
                ov = lax.shift_right_logical(pk, IN_BITS)
                v0 = plsc.load_gather(fv[fs], [iv])
                plsc.addupdate_scatter(av[as_], [ov], v0)
                v1 = plsc.load_gather(fv[fs + 1], [iv])
                plsc.addupdate_scatter(av[as_ + 1], [ov], v1)

            pltpu.async_copy(av[as_], s_hbm.at[row0], sem_s)
            pltpu.async_copy(av[as_ + 1], s_hbm.at[row0 + 1], sem_s)

        def wait_f(slot):
            pltpu.make_async_copy(f_hbm.at[0], fv[slot], sem_f).wait()

        def wait_s(slot):
            pltpu.make_async_copy(s_hbm.at[0], av[slot], sem_s).wait()

        for q in range(4):
            pltpu.async_copy(f_hbm.at[base + q], fv[q], sem_f)

        def pbody(p2, carry):
            row0 = base + 4 * p2
            wait_f(0)
            wait_f(1)

            @pl.when(p2 > 0)
            def _():
                wait_s(0)
                wait_s(1)

            do_pair(0, 0, row0)

            @pl.when(p2 < NP2 - 1)
            def _():
                pltpu.async_copy(f_hbm.at[row0 + 4], fv[0], sem_f)
                pltpu.async_copy(f_hbm.at[row0 + 5], fv[1], sem_f)

            wait_f(2)
            wait_f(3)

            @pl.when(p2 > 0)
            def _():
                wait_s(2)
                wait_s(3)

            do_pair(2, 2, row0 + 2)

            @pl.when(p2 < NP2 - 1)
            def _():
                pltpu.async_copy(f_hbm.at[row0 + 6], fv[2], sem_f)
                pltpu.async_copy(f_hbm.at[row0 + 7], fv[3], sem_f)

            return carry

        lax.fori_loop(0, NP2, pbody, 0)
        for q in range(4):
            wait_s(q)

    return seg_kernel(F2, stream)


def _tc_apply_g(S, G):
    R = S.shape[0]
    C = G.shape[1]

    def body(g_ref, s_ref, o_ref):
        o_ref[...] = lax.dot(
            g_ref[...], s_ref[...], preferred_element_type=jnp.float32
        )[:, :N_OUT]

    return pl.pallas_call(
        body,
        grid=(R // C,),
        in_specs=[
            pl.BlockSpec((C, C), lambda b: (0, 0)),
            pl.BlockSpec((C, N_OUT_PAD), lambda b: (b, 0)),
        ],
        out_specs=pl.BlockSpec((C, N_OUT), lambda b: (b, 0)),
        out_shape=jax.ShapeDtypeStruct((R, N_OUT), jnp.float32),
    )(G, S)


def kernel(features, G, eval_indices):
    B, Cin, N = features.shape
    F2 = features.reshape(B * Cin, N)
    packed = (eval_indices[0] << IN_BITS) | eval_indices[1]
    K = packed.shape[0]
    CHB = (K + 15) // 16
    CHB += 1 - (CHB % 2)
    K_PAD = CHB * 16
    sentinel = (N_OUT_PAD - 1) << IN_BITS
    stream = jnp.concatenate(
        [packed, jnp.full((K_PAD - K,), sentinel, jnp.int32)])
    S = _sc_segment_sum(F2, stream)
    out2 = _tc_apply_g(S, G)
    return out2.reshape(B, G.shape[0], N_OUT)

# --- scband reference (transcript-rebuilt; emitter-appended) ---
"""Pipeline reference for scband-quad-conv-layer-34076270526769 (READ-ONLY COPY).

The authoritative reference and input builder live on the scoring server;
editing this copy changes nothing except your own understanding.
"""

import jax, jax.numpy as jnp
import numpy as np

POINT_DIM = 2
NUM_POINTS_IN = 100
NUM_POINTS_OUT = 50
CHANNELS_IN = 32
CHANNELS_OUT = 32
BATCH = 64


def _gauss_nodes(n):
    # Gauss-Legendre nodes on [-1, 1] (same node set glpair produces)
    nodes, _ = np.polynomial.legendre.leggauss(n)
    return nodes.astype(np.float64)


def _grid(nodes, point_dim):
    mesh = np.meshgrid(*([nodes] * point_dim), indexing='xy')
    return np.dstack(mesh).reshape(-1, point_dim)


def _eval_indices():
    in_nodes = _gauss_nodes(NUM_POINTS_IN)
    out_nodes = _gauss_nodes(NUM_POINTS_OUT)
    nodes = _grid(in_nodes, POINT_DIM)          # [N_in, d]
    output_locs = _grid(out_nodes, POINT_DIM)   # [N_out, d]
    # eval_locs[i, j] = output_locs[i] - nodes[j]
    eval_locs = output_locs[:, None, :] - nodes[None, :, :]
    bump_arg = np.linalg.norm(eval_locs, axis=2) ** 4
    decay_param = (NUM_POINTS_IN / 4.0) ** 4
    tf_vec = bump_arg <= (1.0 / decay_param)
    idx = np.argwhere(tf_vec).T  # [2, K]: row0 = output index, row1 = input index
    return idx.astype(np.int32)


def setup_inputs(seed: int = 0) -> dict:
    key = jax.random.key(seed)
    k1, k2 = jax.random.split(key)
    features = jax.random.normal(k1, (BATCH, CHANNELS_IN, NUM_POINTS_IN ** POINT_DIM), dtype=jnp.float32)
    G = jax.random.normal(k2, (CHANNELS_OUT, CHANNELS_IN), dtype=jnp.float32)
    eval_indices = jnp.asarray(_eval_indices())
    return {"features": features, "G": G, "eval_indices": eval_indices}


def reference(features, G, eval_indices):
    # Faithful translation of convolve():
    #   for (i0, i1) in eval_indices pairs: output[:, :, i0] += G @ features[:, :, i1]
    out_idx = eval_indices[0]
    in_idx = eval_indices[1]
    gathered = jnp.take(features, in_idx, axis=2)            # [B, Cin, K]
    transformed = jnp.einsum('oc,bck->bok', G, gathered)     # [B, Cout, K]
    B = features.shape[0]
    n_out = NUM_POINTS_OUT ** POINT_DIM
    output = jnp.zeros((B, CHANNELS_OUT, n_out), dtype=features.dtype)
    output = output.at[:, :, out_idx].add(transformed)
    return output

if __name__ == "__main__":
    import jax
    _d = setup_inputs()
    print(jax.jit(kernel)(*tuple(_d.values())))

</pallas_src>

<mosaic_0001>
#map = affine_map<(d0, d1) -> (0, 0)>
#map1 = affine_map<(d0, d1) -> (0)>
module attributes {stable_mosaic.version = 14 : i64} {
  func.func @seg_kernel(%arg0: i32, %arg1: i32, %arg2: memref<2048x10000xf32, #tpu.memory_space<hbm>>, %arg3: memref<49968xi32, #tpu.memory_space<hbm>>, %arg4: memref<2048x2560xf32, #tpu.memory_space<hbm>>, %arg5: memref<49968xi32, #tpu.memory_space<vmem>>, %arg6: memref<10000xf32, #tpu.memory_space<vmem>>, %arg7: memref<10000xf32, #tpu.memory_space<vmem>>, %arg8: memref<10000xf32, #tpu.memory_space<vmem>>, %arg9: memref<10000xf32, #tpu.memory_space<vmem>>, %arg10: memref<2560xf32, #tpu.memory_space<vmem>>, %arg11: memref<2560xf32, #tpu.memory_space<vmem>>, %arg12: memref<2560xf32, #tpu.memory_space<vmem>>, %arg13: memref<2560xf32, #tpu.memory_space<vmem>>, %arg14: memref<!tpu.dma_semaphore, #tpu.memory_space<semaphore_mem>>, %arg15: memref<!tpu.dma_semaphore, #tpu.memory_space<semaphore_mem>>) attributes {dimension_semantics = [#tpu.dimension_semantics<core_parallel>, #tpu.dimension_semantics<subcore_parallel>], iteration_bounds = array<i64: 2, 16>, scalar_prefetch = 0 : i64, scratch_operands = 11 : i64, tpu.core_type = #tpu.core_type<sc_vector_subcore>, window_params = [{transform_indices = #map}, {transform_indices = #map1}, {transform_indices = #map}]} {
    %mul3A = arith.constant 2 : i32
    %mul3A_0 = arith.muli %arg1, %mul3A : i32
    %add3A = arith.addi %mul3A_0, %arg0 : i32
    %mul3A_1 = arith.constant 64 : i32
    %mul3A_2 = arith.muli %add3A, %mul3A_1 : i32
    "tpu.region"() ({
      %run_scoped3A = tpu.sem_alloc : memref<!tpu.dma_semaphore, #tpu.memory_space<semaphore_mem>>
      tpu.enqueue_dma source(%arg3 : memref<49968xi32, #tpu.memory_space<hbm>>) target(%arg5 : memref<49968xi32, #tpu.memory_space<vmem>>) target_semaphore(%run_scoped3A : memref<!tpu.dma_semaphore, #tpu.memory_space<semaphore_mem>>)
      tpu.wait_dma2 semaphore(%run_scoped3A : memref<!tpu.dma_semaphore, #tpu.memory_space<semaphore_mem>>) src(%arg3 : memref<49968xi32, #tpu.memory_space<hbm>>) dst(%arg5 : memref<49968xi32, #tpu.memory_space<vmem>>)
      tpu.yield
    }) : () -> ()
    %broadcast_in_dim3A = arith.constant 16383 : i32
    %broadcast_in_dim3A_3 = vector.broadcast %broadcast_in_dim3A : i32 to vector<16xi32>
    %iota3A = tpu.iota {dimensions = array<i32: 0>} : vector<16xi32>
    %mul3A_4 = arith.constant 3123 : i32
    %mul3A_5 = vector.broadcast %mul3A_4 : i32 to vector<16xi32>
    %mul3A_6 = arith.muli %iota3A, %mul3A_5 : vector<16xi32>
    %broadcast_in_dim3A_7 = arith.constant 0.000000e+00 : f32
    %broadcast_in_dim3A_8 = vector.broadcast %broadcast_in_dim3A_7 : f32 to vector<16xf32>
    %add3A_9 = arith.constant 0 : i32
    %add3A_10 = arith.addi %mul3A_2, %add3A_9 : i32
    %dma_start3A = arith.constant 0 : i32
    %dma_start3A_11 = tpu.memref_slice %arg2[%add3A_10, %dma_start3A] : memref<2048x10000xf32, #tpu.memory_space<hbm>> -> memref<1x10000xf32, #tpu.memory_space<hbm>>
    %dma_start3A_12 = tpu.memref_squeeze %dma_start3A_11 : memref<1x10000xf32, #tpu.memory_space<hbm>> -> memref<10000xf32, #tpu.memory_space<hbm>>
    %dma_start3A_13 = arith.constant 0 : i32
    %dma_start3A_14 = tpu.memref_slice %arg2[%add3A_10, %dma_start3A_13] : memref<2048x10000xf32, #tpu.memory_space<hbm>> -> memref<1x10000xf32, #tpu.memory_space<hbm>>
    %dma_start3A_15 = tpu.memref_squeeze %dma_start3A_14 : memref<1x10000xf32, #tpu.memory_space<hbm>> -> memref<10000xf32, #tpu.memory_space<hbm>>
    tpu.enqueue_dma source(%dma_start3A_15 : memref<10000xf32, #tpu.memory_space<hbm>>) target(%arg6 : memref<10000xf32, #tpu.memory_space<vmem>>) target_semaphore(%arg14 : memref<!tpu.dma_semaphore, #tpu.memory_space<semaphore_mem>>)
    %add3A_16 = arith.constant 1 : i32
    %add3A_17 = arith.addi %mul3A_2, %add3A_16 : i32
    %dma_start3A_18 = arith.constant 0 : i32
    %dma_start3A_19 = tpu.memref_slice %arg2[%add3A_17, %dma_start3A_18] : memref<2048x10000xf32, #tpu.memory_space<hbm>> -> memref<1x10000xf32, #tpu.memory_space<hbm>>
    %dma_start3A_20 = tpu.memref_squeeze %dma_start3A_19 : memref<1x10000xf32, #tpu.memory_space<hbm>> -> memref<10000xf32, #tpu.memory_space<hbm>>
    %dma_start3A_21 = arith.constant 0 : i32
    %dma_start3A_22 = tpu.memref_slice %arg2[%add3A_17, %dma_start3A_21] : memref<2048x10000xf32, #tpu.memory_space<hbm>> -> memref<1x10000xf32, #tpu.memory_space<hbm>>
    %dma_start3A_23 = tpu.memref_squeeze %dma_start3A_22 : memref<1x10000xf32, #tpu.memory_space<hbm>> -> memref<10000xf32, #tpu.memory_space<hbm>>
    tpu.enqueue_dma source(%dma_start3A_23 : memref<10000xf32, #tpu.memory_space<hbm>>) target(%arg7 : memref<10000xf32, #tpu.memory_space<vmem>>) target_semaphore(%arg14 : memref<!tpu.dma_semaphore, #tpu.memory_space<semaphore_mem>>)
    %add3A_24 = arith.constant 2 : i32
    %add3A_25 = arith.addi %mul3A_2, %add3A_24 : i32
    %dma_start3A_26 = arith.constant 0 : i32
    %dma_start3A_27 = tpu.memref_slice %arg2[%add3A_25, %dma_start3A_26] : memref<2048x10000xf32, #tpu.memory_space<hbm>> -> memref<1x10000xf32, #tpu.memory_space<hbm>>
    %dma_start3A_28 = tpu.memref_squeeze %dma_start3A_27 : memref<1x10000xf32, #tpu.memory_space<hbm>> -> memref<10000xf32, #tpu.memory_space<hbm>>
    %dma_start3A_29 = arith.constant 0 : i32
    %dma_start3A_30 = tpu.memref_slice %arg2[%add3A_25, %dma_start3A_29] : memref<2048x10000xf32, #tpu.memory_space<hbm>> -> memref<1x10000xf32, #tpu.memory_space<hbm>>
    %dma_start3A_31 = tpu.memref_squeeze %dma_start3A_30 : memref<1x10000xf32, #tpu.memory_space<hbm>> -> memref<10000xf32, #tpu.memory_space<hbm>>
    tpu.enqueue_dma source(%dma_start3A_31 : memref<10000xf32, #tpu.memory_space<hbm>>) target(%arg8 : memref<10000xf32, #tpu.memory_space<vmem>>) target_semaphore(%arg14 : memref<!tpu.dma_semaphore, #tpu.memory_space<semaphore_mem>>)
    %add3A_32 = arith.constant 3 : i32
    %add3A_33 = arith.addi %mul3A_2, %add3A_32 : i32
    %dma_start3A_34 = arith.constant 0 : i32
    %dma_start3A_35 = tpu.memref_slice %arg2[%add3A_33, %dma_start3A_34] : memref<2048x10000xf32, #tpu.memory_space<hbm>> -> memref<1x10000xf32, #tpu.memory_space<hbm>>
    %dma_start3A_36 = tpu.memref_squeeze %dma_start3A_35 : memref<1x10000xf32, #tpu.memory_space<hbm>> -> memref<10000xf32, #tpu.memory_space<hbm>>
    %dma_start3A_37 = arith.constant 0 : i32
    %dma_start3A_38 = tpu.memref_slice %arg2[%add3A_33, %dma_start3A_37] : memref<2048x10000xf32, #tpu.memory_space<hbm>> -> memref<1x10000xf32, #tpu.memory_space<hbm>>
    %dma_start3A_39 = tpu.memref_squeeze %dma_start3A_38 : memref<1x10000xf32, #tpu.memory_space<hbm>> -> memref<10000xf32, #tpu.memory_space<hbm>>
    tpu.enqueue_dma source(%dma_start3A_39 : memref<10000xf32, #tpu.memory_space<hbm>>) target(%arg9 : memref<10000xf32, #tpu.memory_space<vmem>>) target_semaphore(%arg14 : memref<!tpu.dma_semaphore, #tpu.memory_space<semaphore_mem>>)
    %scan3A = arith.constant 0 : i32
    %scan3A_40 = arith.constant 0 : i32
    %scan3A_41 = arith.constant 16 : i32
    %scan3A_42 = arith.addi %scan3A_40, %scan3A_41 : i32
    %scan3A_43 = arith.constant 1 : i32
    scf.for %scan3A_72 = %scan3A_40 to %scan3A_42 step %scan3A_43  : i32 {
      %mul3A_73 = arith.constant 4 : i32
      %mul3A_74 = arith.muli %mul3A_73, %scan3A_72 : i32
      %add3A_75 = arith.addi %mul3A_2, %mul3A_74 : i32
      %dma_wait3A_76 = arith.constant 0 : i32
      %dma_wait3A_77 = arith.constant 0 : i32
      %dma_wait3A_78 = tpu.memref_slice %arg2[%dma_wait3A_76, %dma_wait3A_77] : memref<2048x10000xf32, #tpu.memory_space<hbm>> -> memref<1x10000xf32, #tpu.memory_space<hbm>>
      %dma_wait3A_79 = tpu.memref_squeeze %dma_wait3A_78 : memref<1x10000xf32, #tpu.memory_space<hbm>> -> memref<10000xf32, #tpu.memory_space<hbm>>
      %dma_wait3A_80 = arith.constant 0 : i32
      %dma_wait3A_81 = tpu.memref_slice %arg2[%dma_wait3A_76, %dma_wait3A_80] : memref<2048x10000xf32, #tpu.memory_space<hbm>> -> memref<1x10000xf32, #tpu.memory_space<hbm>>
      %dma_wait3A_82 = tpu.memref_squeeze %dma_wait3A_81 : memref<1x10000xf32, #tpu.memory_space<hbm>> -> memref<10000xf32, #tpu.memory_space<hbm>>
      tpu.wait_dma2 semaphore(%arg14 : memref<!tpu.dma_semaphore, #tpu.memory_space<semaphore_mem>>) src(%dma_wait3A_82 : memref<10000xf32, #tpu.memory_space<hbm>>) dst(%arg6 : memref<10000xf32, #tpu.memory_space<vmem>>)
      %dma_wait3A_83 = arith.constant 0 : i32
      %dma_wait3A_84 = arith.constant 0 : i32
      %dma_wait3A_85 = tpu.memref_slice %arg2[%dma_wait3A_83, %dma_wait3A_84] : memref<2048x10000xf32, #tpu.memory_space<hbm>> -> memref<1x10000xf32, #tpu.memory_space<hbm>>
      %dma_wait3A_86 = tpu.memref_squeeze %dma_wait3A_85 : memref<1x10000xf32, #tpu.memory_space<hbm>> -> memref<10000xf32, #tpu.memory_space<hbm>>
      %dma_wait3A_87 = arith.constant 0 : i32
      %dma_wait3A_88 = tpu.memref_slice %arg2[%dma_wait3A_83, %dma_wait3A_87] : memref<2048x10000xf32, #tpu.memory_space<hbm>> -> memref<1x10000xf32, #tpu.memory_space<hbm>>
      %dma_wait3A_89 = tpu.memref_squeeze %dma_wait3A_88 : memref<1x10000xf32, #tpu.memory_space<hbm>> -> memref<10000xf32, #tpu.memory_space<hbm>>
      tpu.wait_dma2 semaphore(%arg14 : memref<!tpu.dma_semaphore, #tpu.memory_space<semaphore_mem>>) src(%dma_wait3A_89 : memref<10000xf32, #tpu.memory_space<hbm>>) dst(%arg7 : memref<10000xf32, #tpu.memory_space<vmem>>)
      %gt3A = arith.constant 0 : i32
      %gt3A_90 = arith.cmpi sgt, %scan3A_72, %gt3A : i32
      %convert_element_type3A = arith.extui %gt3A_90 : i1 to i32
      %cond3A = arith.constant 0 : i32
      %cond3A_91 = arith.cmpi ne, %convert_element_type3A, %cond3A : i32
      scf.if %cond3A_91 {
        %dma_wait3A_161 = arith.constant 0 : i32
        %dma_wait3A_162 = arith.constant 0 : i32
        %dma_wait3A_163 = tpu.memref_slice %arg4[%dma_wait3A_161, %dma_wait3A_162] : memref<2048x2560xf32, #tpu.memory_space<hbm>> -> memref<1x2560xf32, #tpu.memory_space<hbm>>
        %dma_wait3A_164 = tpu.memref_squeeze %dma_wait3A_163 : memref<1x2560xf32, #tpu.memory_space<hbm>> -> memref<2560xf32, #tpu.memory_space<hbm>>
        %dma_wait3A_165 = arith.constant 0 : i32
        %dma_wait3A_166 = tpu.memref_slice %arg4[%dma_wait3A_161, %dma_wait3A_165] : memref<2048x2560xf32, #tpu.memory_space<hbm>> -> memref<1x2560xf32, #tpu.memory_space<hbm>>
        %dma_wait3A_167 = tpu.memref_squeeze %dma_wait3A_166 : memref<1x2560xf32, #tpu.memory_space<hbm>> -> memref<2560xf32, #tpu.memory_space<hbm>>
        tpu.wait_dma2 semaphore(%arg15 : memref<!tpu.dma_semaphore, #tpu.memory_space<semaphore_mem>>) src(%dma_wait3A_167 : memref<2560xf32, #tpu.memory_space<hbm>>) dst(%arg10 : memref<2560xf32, #tpu.memory_space<vmem>>)
        %dma_wait3A_168 = arith.constant 0 : i32
        %dma_wait3A_169 = arith.constant 0 : i32
        %dma_wait3A_170 = tpu.memref_slice %arg4[%dma_wait3A_168, %dma_wait3A_169] : memref<2048x2560xf32, #tpu.memory_space<hbm>> -> memref<1x2560xf32, #tpu.memory_space<hbm>>
        %dma_wait3A_171 = tpu.memref_squeeze %dma_wait3A_170 : memref<1x2560xf32, #tpu.memory_space<hbm>> -> memref<2560xf32, #tpu.memory_space<hbm>>
        %dma_wait3A_172 = arith.constant 0 : i32
        %dma_wait3A_173 = tpu.memref_slice %arg4[%dma_wait3A_168, %dma_wait3A_172] : memref<2048x2560xf32, #tpu.memory_space<hbm>> -> memref<1x2560xf32, #tpu.memory_space<hbm>>
        %dma_wait3A_174 = tpu.memref_squeeze %dma_wait3A_173 : memref<1x2560xf32, #tpu.memory_space<hbm>> -> memref<2560xf32, #tpu.memory_space<hbm>>
        tpu.wait_dma2 semaphore(%arg15 : memref<!tpu.dma_semaphore, #tpu.memory_space<semaphore_mem>>) src(%dma_wait3A_174 : memref<2560xf32, #tpu.memory_space<hbm>>) dst(%arg11 : memref<2560xf32, #tpu.memory_space<vmem>>)
      } else {
      }
      %parallel_loop3A = arith.constant 0 : i32
      %parallel_loop3A_92 = arith.constant 160 : i32
      %parallel_loop3A_93 = arith.constant 1 : i32
      scf.for %parallel_loop3A_161 = %parallel_loop3A to %parallel_loop3A_92 step %parallel_loop3A_93  : i32 {
        %parallel_loop3A_162 = arith.constant 16 : i32
        %parallel_loop3A_163 = arith.muli %parallel_loop3A_161, %parallel_loop3A_162 : i32
        %parallel_loop3A_164 = arith.index_cast %parallel_loop3A_163 : i32 to index
        %parallel_loop3A_165 = tpu.vector_load %arg10[%parallel_loop3A_164] {strides = array<i32>} : memref<2560xf32, #tpu.memory_space<vmem>>, vector<16xf32>,
        tpu.vector_store %arg10[%parallel_loop3A_164], %broadcast_in_dim3A_8 {strides = array<i32>} : memref<2560xf32, #tpu.memory_space<vmem>>, vector<16xf32>,
        %parallel_loop3A_166 = arith.constant 16 : i32
        %parallel_loop3A_167 = arith.muli %parallel_loop3A_161, %parallel_loop3A_166 : i32
        %parallel_loop3A_168 = arith.index_cast %parallel_loop3A_167 : i32 to index
        %parallel_loop3A_169 = tpu.vector_load %arg11[%parallel_loop3A_168] {strides = array<i32>} : memref<2560xf32, #tpu.memory_space<vmem>>, vector<16xf32>,
        tpu.vector_store %arg11[%parallel_loop3A_168], %broadcast_in_dim3A_8 {strides = array<i32>} : memref<2560xf32, #tpu.memory_space<vmem>>, vector<16xf32>,
      } {sc.loop_unroll_factor = 4 : i64, sc.parallel_access}
      %parallel_loop3A_94 = arith.constant 0 : i32
      %parallel_loop3A_95 = arith.constant 3123 : i32
      %parallel_loop3A_96 = arith.constant 1 : i32
      scf.for %parallel_loop3A_161 = %parallel_loop3A_94 to %parallel_loop3A_95 step %parallel_loop3A_96  : i32 {
        %parallel_loop3A_162 = vector.broadcast %parallel_loop3A_161 : i32 to vector<16xi32>
        %parallel_loop3A_163 = arith.addi %mul3A_6, %parallel_loop3A_162 : vector<16xi32>
        %parallel_loop3A_164 = tpu.vector_load_idx %arg5[%parallel_loop3A_163] : memref<49968xi32, #tpu.memory_space<vmem>>[vector<16xi32>], vector<16xi32>,
        %parallel_loop3A_165 = arith.andi %parallel_loop3A_164, %broadcast_in_dim3A_3 : vector<16xi32>
        %parallel_loop3A_166 = arith.constant 14 : i32
        %parallel_loop3A_167 = vector.broadcast %parallel_loop3A_166 : i32 to vector<16xi32>
        %parallel_loop3A_168 = arith.shrui %parallel_loop3A_164, %parallel_loop3A_167 : vector<16xi32>
        %parallel_loop3A_169 = tpu.vector_load_idx %arg6[%parallel_loop3A_165] : memref<10000xf32, #tpu.memory_space<vmem>>[vector<16xi32>], vector<16xf32>,
        tpu.vector_store_idx %arg10[%parallel_loop3A_168], %parallel_loop3A_169 {add = true} : memref<2560xf32, #tpu.memory_space<vmem>>[vector<16xi32>], vector<16xf32>,
        %parallel_loop3A_170 = tpu.vector_load_idx %arg7[%parallel_loop3A_165] : memref<10000xf32, #tpu.memory_space<vmem>>[vector<16xi32>], vector<16xf32>,
        tpu.vector_store_idx %arg11[%parallel_loop3A_168], %parallel_loop3A_170 {add = true} : memref<2560xf32, #tpu.memory_space<vmem>>[vector<16xi32>], vector<16xf32>,
      } {sc.loop_unroll_factor = 12 : i64, sc.parallel_access}
      %dma_start3A_97 = arith.constant 0 : i32
      %dma_start3A_98 = tpu.memref_slice %arg4[%add3A_75, %dma_start3A_97] : memref<2048x2560xf32, #tpu.memory_space<hbm>> -> memref<1x2560xf32, #tpu.memory_space<hbm>>
      %dma_start3A_99 = tpu.memref_squeeze %dma_start3A_98 : memref<1x2560xf32, #tpu.memory_space<hbm>> -> memref<2560xf32, #tpu.memory_space<hbm>>
      %dma_start3A_100 = arith.constant 0 : i32
      %dma_start3A_101 = tpu.memref_slice %arg4[%add3A_75, %dma_start3A_100] : memref<2048x2560xf32, #tpu.memory_space<hbm>> -> memref<1x2560xf32, #tpu.memory_space<hbm>>
      %dma_start3A_102 = tpu.memref_squeeze %dma_start3A_101 : memref<1x2560xf32, #tpu.memory_space<hbm>> -> memref<2560xf32, #tpu.memory_space<hbm>>
      tpu.enqueue_dma source(%arg10 : memref<2560xf32, #tpu.memory_space<vmem>>) target(%dma_start3A_102 : memref<2560xf32, #tpu.memory_space<hbm>>) target_semaphore(%arg15 : memref<!tpu.dma_semaphore, #tpu.memory_space<semaphore_mem>>)
      %add3A_103 = arith.constant 1 : i32
      %add3A_104 = arith.addi %add3A_75, %add3A_103 : i32
      %dma_start3A_105 = arith.constant 0 : i32
      %dma_start3A_106 = tpu.memref_slice %arg4[%add3A_104, %dma_start3A_105] : memref<2048x2560xf32, #tpu.memory_space<hbm>> -> memref<1x2560xf32, #tpu.memory_space<hbm>>
      %dma_start3A_107 = tpu.memref_squeeze %dma_start3A_106 : memref<1x2560xf32, #tpu.memory_space<hbm>> -> memref<2560xf32, #tpu.memory_space<hbm>>
      %dma_start3A_108 = arith.constant 0 : i32
      %dma_start3A_109 = tpu.memref_slice %arg4[%add3A_104, %dma_start3A_108] : memref<2048x2560xf32, #tpu.memory_space<hbm>> -> memref<1x2560xf32, #tpu.memory_space<hbm>>
      %dma_start3A_110 = tpu.memref_squeeze %dma_start3A_109 : memref<1x2560xf32, #tpu.memory_space<hbm>> -> memref<2560xf32, #tpu.memory_space<hbm>>
      tpu.enqueue_dma source(%arg11 : memref<2560xf32, #tpu.memory_space<vmem>>) target(%dma_start3A_110 : memref<2560xf32, #tpu.memory_space<hbm>>) target_semaphore(%arg15 : memref<!tpu.dma_semaphore, #tpu.memory_space<semaphore_mem>>)
      %lt3A = arith.constant 15 : i32
      %lt3A_111 = arith.cmpi slt, %scan3A_72, %lt3A : i32
      %convert_element_type3A_112 = arith.extui %lt3A_111 : i1 to i32
      %cond3A_113 = arith.constant 0 : i32
      %cond3A_114 = arith.cmpi ne, %convert_element_type3A_112, %cond3A_113 : i32
      scf.if %cond3A_114 {
        %add3A_161 = arith.constant 4 : i32
        %add3A_162 = arith.addi %add3A_75, %add3A_161 : i32
        %dma_start3A_163 = arith.constant 0 : i32
        %dma_start3A_164 = tpu.memref_slice %arg2[%add3A_162, %dma_start3A_163] : memref<2048x10000xf32, #tpu.memory_space<hbm>> -> memref<1x10000xf32, #tpu.memory_space<hbm>>
        %dma_start3A_165 = tpu.memref_squeeze %dma_start3A_164 : memref<1x10000xf32, #tpu.memory_space<hbm>> -> memref<10000xf32, #tpu.memory_space<hbm>>
        %dma_start3A_166 = arith.constant 0 : i32
        %dma_start3A_167 = tpu.memref_slice %arg2[%add3A_162, %dma_start3A_166] : memref<2048x10000xf32, #tpu.memory_space<hbm>> -> memref<1x10000xf32, #tpu.memory_space<hbm>>
        %dma_start3A_168 = tpu.memref_squeeze %dma_start3A_167 : memref<1x10000xf32, #tpu.memory_space<hbm>> -> memref<10000xf32, #tpu.memory_space<hbm>>
        tpu.enqueue_dma source(%dma_start3A_168 : memref<10000xf32, #tpu.memory_space<hbm>>) target(%arg6 : memref<10000xf32, #tpu.memory_space<vmem>>) target_semaphore(%arg14 : memref<!tpu.dma_semaphore, #tpu.memory_space<semaphore_mem>>)
        %add3A_169 = arith.constant 5 : i32
        %add3A_170 = arith.addi %add3A_75, %add3A_169 : i32
        %dma_start3A_171 = arith.constant 0 : i32
        %dma_start3A_172 = tpu.memref_slice %arg2[%add3A_170, %dma_start3A_171] : memref<2048x10000xf32, #tpu.memory_space<hbm>> -> memref<1x10000xf32, #tpu.memory_space<hbm>>
        %dma_start3A_173 = tpu.memref_squeeze %dma_start3A_172 : memref<1x10000xf32, #tpu.memory_space<hbm>> -> memref<10000xf32, #tpu.memory_space<hbm>>
        %dma_start3A_174 = arith.constant 0 : i32
        %dma_start3A_175 = tpu.memref_slice %arg2[%add3A_170, %dma_start3A_174] : memref<2048x10000xf32, #tpu.memory_space<hbm>> -> memref<1x10000xf32, #tpu.memory_space<hbm>>
        %dma_start3A_176 = tpu.memref_squeeze %dma_start3A_175 : memref<1x10000xf32, #tpu.memory_space<hbm>> -> memref<10000xf32, #tpu.memory_space<hbm>>
        tpu.enqueue_dma source(%dma_start3A_176 : memref<10000xf32, #tpu.memory_space<hbm>>) target(%arg7 : memref<10000xf32, #tpu.memory_space<vmem>>) target_semaphore(%arg14 : memref<!tpu.dma_semaphore, #tpu.memory_space<semaphore_mem>>)
      } else {
      }
      %dma_wait3A_115 = arith.constant 0 : i32
      %dma_wait3A_116 = arith.constant 0 : i32
      %dma_wait3A_117 = tpu.memref_slice %arg2[%dma_wait3A_115, %dma_wait3A_116] : memref<2048x10000xf32, #tpu.memory_space<hbm>> -> memref<1x10000xf32, #tpu.memory_space<hbm>>
      %dma_wait3A_118 = tpu.memref_squeeze %dma_wait3A_117 : memref<1x10000xf32, #tpu.memory_space<hbm>> -> memref<10000xf32, #tpu.memory_space<hbm>>
      %dma_wait3A_119 = arith.constant 0 : i32
      %dma_wait3A_120 = tpu.memref_slice %arg2[%dma_wait3A_115, %dma_wait3A_119] : memref<2048x10000xf32, #tpu.memory_space<hbm>> -> memref<1x10000xf32, #tpu.memory_space<hbm>>
      %dma_wait3A_121 = tpu.memref_squeeze %dma_wait3A_120 : memref<1x10000xf32, #tpu.memory_space<hbm>> -> memref<10000xf32, #tpu.memory_space<hbm>>
      tpu.wait_dma2 semaphore(%arg14 : memref<!tpu.dma_semaphore, #tpu.memory_space<semaphore_mem>>) src(%dma_wait3A_121 : memref<10000xf32, #tpu.memory_space<hbm>>) dst(%arg8 : memref<10000xf32, #tpu.memory_space<vmem>>)
      %dma_wait3A_122 = arith.constant 0 : i32
      %dma_wait3A_123 = arith.constant 0 : i32
      %dma_wait3A_124 = tpu.memref_slice %arg2[%dma_wait3A_122, %dma_wait3A_123] : memref<2048x10000xf32, #tpu.memory_space<hbm>> -> memref<1x10000xf32, #tpu.memory_space<hbm>>
      %dma_wait3A_125 = tpu.memref_squeeze %dma_wait3A_124 : memref<1x10000xf32, #tpu.memory_space<hbm>> -> memref<10000xf32, #tpu.memory_space<hbm>>
      %dma_wait3A_126 = arith.constant 0 : i32
      %dma_wait3A_127 = tpu.memref_slice %arg2[%dma_wait3A_122, %dma_wait3A_126] : memref<2048x10000xf32, #tpu.memory_space<hbm>> -> memref<1x10000xf32, #tpu.memory_space<hbm>>
      %dma_wait3A_128 = tpu.memref_squeeze %dma_wait3A_127 : memref<1x10000xf32, #tpu.memory_space<hbm>> -> memref<10000xf32, #tpu.memory_space<hbm>>
      tpu.wait_dma2 semaphore(%arg14 : memref<!tpu.dma_semaphore, #tpu.memory_space<semaphore_mem>>) src(%dma_wait3A_128 : memref<10000xf32, #tpu.memory_space<hbm>>) dst(%arg9 : memref<10000xf32, #tpu.memory_space<vmem>>)
      %gt3A_129 = arith.constant 0 : i32
      %gt3A_130 = arith.cmpi sgt, %scan3A_72, %gt3A_129 : i32
      %convert_element_type3A_131 = arith.extui %gt3A_130 : i1 to i32
      %cond3A_132 = arith.constant 0 : i32
      %cond3A_133 = arith.cmpi ne, %convert_element_type3A_131, %cond3A_132 : i32
      scf.if %cond3A_133 {
        %dma_wait3A_161 = arith.constant 0 : i32
        %dma_wait3A_162 = arith.constant 0 : i32
        %dma_wait3A_163 = tpu.memref_slice %arg4[%dma_wait3A_161, %dma_wait3A_162] : memref<2048x2560xf32, #tpu.memory_space<hbm>> -> memref<1x2560xf32, #tpu.memory_space<hbm>>
        %dma_wait3A_164 = tpu.memref_squeeze %dma_wait3A_163 : memref<1x2560xf32, #tpu.memory_space<hbm>> -> memref<2560xf32, #tpu.memory_space<hbm>>
        %dma_wait3A_165 = arith.constant 0 : i32
        %dma_wait3A_166 = tpu.memref_slice %arg4[%dma_wait3A_161, %dma_wait3A_165] : memref<2048x2560xf32, #tpu.memory_space<hbm>> -> memref<1x2560xf32, #tpu.memory_space<hbm>>
        %dma_wait3A_167 = tpu.memref_squeeze %dma_wait3A_166 : memref<1x2560xf32, #tpu.memory_space<hbm>> -> memref<2560xf32, #tpu.memory_space<hbm>>
        tpu.wait_dma2 semaphore(%arg15 : memref<!tpu.dma_semaphore, #tpu.memory_space<semaphore_mem>>) src(%dma_wait3A_167 : memref<2560xf32, #tpu.memory_space<hbm>>) dst(%arg12 : memref<2560xf32, #tpu.memory_space<vmem>>)
        %dma_wait3A_168 = arith.constant 0 : i32
        %dma_wait3A_169 = arith.constant 0 : i32
        %dma_wait3A_170 = tpu.memref_slice %arg4[%dma_wait3A_168, %dma_wait3A_169] : memref<2048x2560xf32, #tpu.memory_space<hbm>> -> memref<1x2560xf32, #tpu.memory_space<hbm>>
        %dma_wait3A_171 = tpu.memref_squeeze %dma_wait3A_170 : memref<1x2560xf32, #tpu.memory_space<hbm>> -> memref<2560xf32, #tpu.memory_space<hbm>>
        %dma_wait3A_172 = arith.constant 0 : i32
        %dma_wait3A_173 = tpu.memref_slice %arg4[%dma_wait3A_168, %dma_wait3A_172] : memref<2048x2560xf32, #tpu.memory_space<hbm>> -> memref<1x2560xf32, #tpu.memory_space<hbm>>
        %dma_wait3A_174 = tpu.memref_squeeze %dma_wait3A_173 : memref<1x2560xf32, #tpu.memory_space<hbm>> -> memref<2560xf32, #tpu.memory_space<hbm>>
        tpu.wait_dma2 semaphore(%arg15 : memref<!tpu.dma_semaphore, #tpu.memory_space<semaphore_mem>>) src(%dma_wait3A_174 : memref<2560xf32, #tpu.memory_space<hbm>>) dst(%arg13 : memref<2560xf32, #tpu.memory_space<vmem>>)
      } else {
      }
      %add3A_134 = arith.constant 2 : i32
      %add3A_135 = arith.addi %add3A_75, %add3A_134 : i32
      %parallel_loop3A_136 = arith.constant 0 : i32
      %parallel_loop3A_137 = arith.constant 160 : i32
      %parallel_loop3A_138 = arith.constant 1 : i32
      scf.for %parallel_loop3A_161 = %parallel_loop3A_136 to %parallel_loop3A_137 step %parallel_loop3A_138  : i32 {
        %parallel_loop3A_162 = arith.constant 16 : i32
        %parallel_loop3A_163 = arith.muli %parallel_loop3A_161, %parallel_loop3A_162 : i32
        %parallel_loop3A_164 = arith.index_cast %parallel_loop3A_163 : i32 to index
        %parallel_loop3A_165 = tpu.vector_load %arg12[%parallel_loop3A_164] {strides = array<i32>} : memref<2560xf32, #tpu.memory_space<vmem>>, vector<16xf32>,
        tpu.vector_store %arg12[%parallel_loop3A_164], %broadcast_in_dim3A_8 {strides = array<i32>} : memref<2560xf32, #tpu.memory_space<vmem>>, vector<16xf32>,
        %parallel_loop3A_166 = arith.constant 16 : i32
        %parallel_loop3A_167 = arith.muli %parallel_loop3A_161, %parallel_loop3A_166 : i32
        %parallel_loop3A_168 = arith.index_cast %parallel_loop3A_167 : i32 to index
        %parallel_loop3A_169 = tpu.vector_load %arg13[%parallel_loop3A_168] {strides = array<i32>} : memref<2560xf32, #tpu.memory_space<vmem>>, vector<16xf32>,
        tpu.vector_store %arg13[%parallel_loop3A_168], %broadcast_in_dim3A_8 {strides = array<i32>} : memref<2560xf32, #tpu.memory_space<vmem>>, vector<16xf32>,
      } {sc.loop_unroll_factor = 4 : i64, sc.parallel_access}
      %parallel_loop3A_139 = arith.constant 0 : i32
      %parallel_loop3A_140 = arith.constant 3123 : i32
      %parallel_loop3A_141 = arith.constant 1 : i32
      scf.for %parallel_loop3A_161 = %parallel_loop3A_139 to %parallel_loop3A_140 step %parallel_loop3A_141  : i32 {
        %parallel_loop3A_162 = vector.broadcast %parallel_loop3A_161 : i32 to vector<16xi32>
        %parallel_loop3A_163 = arith.addi %mul3A_6, %parallel_loop3A_162 : vector<16xi32>
        %parallel_loop3A_164 = tpu.vector_load_idx %arg5[%parallel_loop3A_163] : memref<49968xi32, #tpu.memory_space<vmem>>[vector<16xi32>], vector<16xi32>,
        %parallel_loop3A_165 = arith.andi %parallel_loop3A_164, %broadcast_in_dim3A_3 : vector<16xi32>
        %parallel_loop3A_166 = arith.constant 14 : i32
        %parallel_loop3A_167 = vector.broadcast %parallel_loop3A_166 : i32 to vector<16xi32>
        %parallel_loop3A_168 = arith.shrui %parallel_loop3A_164, %parallel_loop3A_167 : vector<16xi32>
        %parallel_loop3A_169 = tpu.vector_load_idx %arg8[%parallel_loop3A_165] : memref<10000xf32, #tpu.memory_space<vmem>>[vector<16xi32>], vector<16xf32>,
        tpu.vector_store_idx %arg12[%parallel_loop3A_168], %parallel_loop3A_169 {add = true} : memref<2560xf32, #tpu.memory_space<vmem>>[vector<16xi32>], vector<16xf32>,
        %parallel_loop3A_170 = tpu.vector_load_idx %arg9[%parallel_loop3A_165] : memref<10000xf32, #tpu.memory_space<vmem>>[vector<16xi32>], vector<16xf32>,
        tpu.vector_store_idx %arg13[%parallel_loop3A_168], %parallel_loop3A_170 {add = true} : memref<2560xf32, #tpu.memory_space<vmem>>[vector<16xi32>], vector<16xf32>,
      } {sc.loop_unroll_factor = 12 : i64, sc.parallel_access}
      %dma_start3A_142 = arith.constant 0 : i32
      %dma_start3A_143 = tpu.memref_slice %arg4[%add3A_135, %dma_start3A_142] : memref<2048x2560xf32, #tpu.memory_space<hbm>> -> memref<1x2560xf32, #tpu.memory_space<hbm>>
      %dma_start3A_144 = tpu.memref_squeeze %dma_start3A_143 : memref<1x2560xf32, #tpu.memory_space<hbm>> -> memref<2560xf32, #tpu.memory_space<hbm>>
      %dma_start3A_145 = arith.constant 0 : i32
      %dma_start3A_146 = tpu.memref_slice %arg4[%add3A_135, %dma_start3A_145] : memref<2048x2560xf32, #tpu.memory_space<hbm>> -> memref<1x2560xf32, #tpu.memory_space<hbm>>
      %dma_start3A_147 = tpu.memref_squeeze %dma_start3A_146 : memref<1x2560xf32, #tpu.memory_space<hbm>> -> memref<2560xf32, #tpu.memory_space<hbm>>
      tpu.enqueue_dma source(%arg12 : memref<2560xf32, #tpu.memory_space<vmem>>) target(%dma_start3A_147 : memref<2560xf32, #tpu.memory_space<hbm>>) target_semaphore(%arg15 : memref<!tpu.dma_semaphore, #tpu.memory_space<semaphore_mem>>)
      %add3A_148 = arith.constant 1 : i32
      %add3A_149 = arith.addi %add3A_135, %add3A_148 : i32
      %dma_start3A_150 = arith.constant 0 : i32
      %dma_start3A_151 = tpu.memref_slice %arg4[%add3A_149, %dma_start3A_150] : memref<2048x2560xf32, #tpu.memory_space<hbm>> -> memref<1x2560xf32, #tpu.memory_space<hbm>>
      %dma_start3A_152 = tpu.memref_squeeze %dma_start3A_151 : memref<1x2560xf32, #tpu.memory_space<hbm>> -> memref<2560xf32, #tpu.memory_space<hbm>>
      %dma_start3A_153 = arith.constant 0 : i32
      %dma_start3A_154 = tpu.memref_slice %arg4[%add3A_149, %dma_start3A_153] : memref<2048x2560xf32, #tpu.memory_space<hbm>> -> memref<1x2560xf32, #tpu.memory_space<hbm>>
      %dma_start3A_155 = tpu.memref_squeeze %dma_start3A_154 : memref<1x2560xf32, #tpu.memory_space<hbm>> -> memref<2560xf32, #tpu.memory_space<hbm>>
      tpu.enqueue_dma source(%arg13 : memref<2560xf32, #tpu.memory_space<vmem>>) target(%dma_start3A_155 : memref<2560xf32, #tpu.memory_space<hbm>>) target_semaphore(%arg15 : memref<!tpu.dma_semaphore, #tpu.memory_space<semaphore_mem>>)
      %lt3A_156 = arith.constant 15 : i32
      %lt3A_157 = arith.cmpi slt, %scan3A_72, %lt3A_156 : i32
      %convert_element_type3A_158 = arith.extui %lt3A_157 : i1 to i32
      %cond3A_159 = arith.constant 0 : i32
      %cond3A_160 = arith.cmpi ne, %convert_element_type3A_158, %cond3A_159 : i32
      scf.if %cond3A_160 {
        %add3A_161 = arith.constant 6 : i32
        %add3A_162 = arith.addi %add3A_75, %add3A_161 : i32
        %dma_start3A_163 = arith.constant 0 : i32
        %dma_start3A_164 = tpu.memref_slice %arg2[%add3A_162, %dma_start3A_163] : memref<2048x10000xf32, #tpu.memory_space<hbm>> -> memref<1x10000xf32, #tpu.memory_space<hbm>>
        %dma_start3A_165 = tpu.memref_squeeze %dma_start3A_164 : memref<1x10000xf32, #tpu.memory_space<hbm>> -> memref<10000xf32, #tpu.memory_space<hbm>>
        %dma_start3A_166 = arith.constant 0 : i32
        %dma_start3A_167 = tpu.memref_slice %arg2[%add3A_162, %dma_start3A_166] : memref<2048x10000xf32, #tpu.memory_space<hbm>> -> memref<1x10000xf32, #tpu.memory_space<hbm>>
        %dma_start3A_168 = tpu.memref_squeeze %dma_start3A_167 : memref<1x10000xf32, #tpu.memory_space<hbm>> -> memref<10000xf32, #tpu.memory_space<hbm>>
        tpu.enqueue_dma source(%dma_start3A_168 : memref<10000xf32, #tpu.memory_space<hbm>>) target(%arg8 : memref<10000xf32, #tpu.memory_space<vmem>>) target_semaphore(%arg14 : memref<!tpu.dma_semaphore, #tpu.memory_space<semaphore_mem>>)
        %add3A_169 = arith.constant 7 : i32
        %add3A_170 = arith.addi %add3A_75, %add3A_169 : i32
        %dma_start3A_171 = arith.constant 0 : i32
        %dma_start3A_172 = tpu.memref_slice %arg2[%add3A_170, %dma_start3A_171] : memref<2048x10000xf32, #tpu.memory_space<hbm>> -> memref<1x10000xf32, #tpu.memory_space<hbm>>
        %dma_start3A_173 = tpu.memref_squeeze %dma_start3A_172 : memref<1x10000xf32, #tpu.memory_space<hbm>> -> memref<10000xf32, #tpu.memory_space<hbm>>
        %dma_start3A_174 = arith.constant 0 : i32
        %dma_start3A_175 = tpu.memref_slice %arg2[%add3A_170, %dma_start3A_174] : memref<2048x10000xf32, #tpu.memory_space<hbm>> -> memref<1x10000xf32, #tpu.memory_space<hbm>>
        %dma_start3A_176 = tpu.memref_squeeze %dma_start3A_175 : memref<1x10000xf32, #tpu.memory_space<hbm>> -> memref<10000xf32, #tpu.memory_space<hbm>>
        tpu.enqueue_dma source(%dma_start3A_176 : memref<10000xf32, #tpu.memory_space<hbm>>) target(%arg9 : memref<10000xf32, #tpu.memory_space<vmem>>) target_semaphore(%arg14 : memref<!tpu.dma_semaphore, #tpu.memory_space<semaphore_mem>>)
      } else {
      }
    }
    %scan3A_44 = arith.constant 16 : i32
    %dma_wait3A = arith.constant 0 : i32
    %dma_wait3A_45 = arith.constant 0 : i32
    %dma_wait3A_46 = tpu.memref_slice %arg4[%dma_wait3A, %dma_wait3A_45] : memref<2048x2560xf32, #tpu.memory_space<hbm>> -> memref<1x2560xf32, #tpu.memory_space<hbm>>
    %dma_wait3A_47 = tpu.memref_squeeze %dma_wait3A_46 : memref<1x2560xf32, #tpu.memory_space<hbm>> -> memref<2560xf32, #tpu.memory_space<hbm>>
    %dma_wait3A_48 = arith.constant 0 : i32
    %dma_wait3A_49 = tpu.memref_slice %arg4[%dma_wait3A, %dma_wait3A_48] : memref<2048x2560xf32, #tpu.memory_space<hbm>> -> memref<1x2560xf32, #tpu.memory_space<hbm>>
    %dma_wait3A_50 = tpu.memref_squeeze %dma_wait3A_49 : memref<1x2560xf32, #tpu.memory_space<hbm>> -> memref<2560xf32, #tpu.memory_space<hbm>>
    tpu.wait_dma2 semaphore(%arg15 : memref<!tpu.dma_semaphore, #tpu.memory_space<semaphore_mem>>) src(%dma_wait3A_50 : memref<2560xf32, #tpu.memory_space<hbm>>) dst(%arg10 : memref<2560xf32, #tpu.memory_space<vmem>>)
    %dma_wait3A_51 = arith.constant 0 : i32
    %dma_wait3A_52 = arith.constant 0 : i32
    %dma_wait3A_53 = tpu.memref_slice %arg4[%dma_wait3A_51, %dma_wait3A_52] : memref<2048x2560xf32, #tpu.memory_space<hbm>> -> memref<1x2560xf32, #tpu.memory_space<hbm>>
    %dma_wait3A_54 = tpu.memref_squeeze %dma_wait3A_53 : memref<1x2560xf32, #tpu.memory_space<hbm>> -> memref<2560xf32, #tpu.memory_space<hbm>>
    %dma_wait3A_55 = arith.constant 0 : i32
    %dma_wait3A_56 = tpu.memref_slice %arg4[%dma_wait3A_51, %dma_wait3A_55] : memref<2048x2560xf32, #tpu.memory_space<hbm>> -> memref<1x2560xf32, #tpu.memory_space<hbm>>
    %dma_wait3A_57 = tpu.memref_squeeze %dma_wait3A_56 : memref<1x2560xf32, #tpu.memory_space<hbm>> -> memref<2560xf32, #tpu.memory_space<hbm>>
    tpu.wait_dma2 semaphore(%arg15 : memref<!tpu.dma_semaphore, #tpu.memory_space<semaphore_mem>>) src(%dma_wait3A_57 : memref<2560xf32, #tpu.memory_space<hbm>>) dst(%arg11 : memref<2560xf32, #tpu.memory_space<vmem>>)
    %dma_wait3A_58 = arith.constant 0 : i32
    %dma_wait3A_59 = arith.constant 0 : i32
    %dma_wait3A_60 = tpu.memref_slice %arg4[%dma_wait3A_58, %dma_wait3A_59] : memref<2048x2560xf32, #tpu.memory_space<hbm>> -> memref<1x2560xf32, #tpu.memory_space<hbm>>
    %dma_wait3A_61 = tpu.memref_squeeze %dma_wait3A_60 : memref<1x2560xf32, #tpu.memory_space<hbm>> -> memref<2560xf32, #tpu.memory_space<hbm>>
    %dma_wait3A_62 = arith.constant 0 : i32
    %dma_wait3A_63 = tpu.memref_slice %arg4[%dma_wait3A_58, %dma_wait3A_62] : memref<2048x2560xf32, #tpu.memory_space<hbm>> -> memref<1x2560xf32, #tpu.memory_space<hbm>>
    %dma_wait3A_64 = tpu.memref_squeeze %dma_wait3A_63 : memref<1x2560xf32, #tpu.memory_space<hbm>> -> memref<2560xf32, #tpu.memory_space<hbm>>
    tpu.wait_dma2 semaphore(%arg15 : memref<!tpu.dma_semaphore, #tpu.memory_space<semaphore_mem>>) src(%dma_wait3A_64 : memref<2560xf32, #tpu.memory_space<hbm>>) dst(%arg12 : memref<2560xf32, #tpu.memory_space<vmem>>)
    %dma_wait3A_65 = arith.constant 0 : i32
    %dma_wait3A_66 = arith.constant 0 : i32
    %dma_wait3A_67 = tpu.memref_slice %arg4[%dma_wait3A_65, %dma_wait3A_66] : memref<2048x2560xf32, #tpu.memory_space<hbm>> -> memref<1x2560xf32, #tpu.memory_space<hbm>>
    %dma_wait3A_68 = tpu.memref_squeeze %dma_wait3A_67 : memref<1x2560xf32, #tpu.memory_space<hbm>> -> memref<2560xf32, #tpu.memory_space<hbm>>
    %dma_wait3A_69 = arith.constant 0 : i32
    %dma_wait3A_70 = tpu.memref_slice %arg4[%dma_wait3A_65, %dma_wait3A_69] : memref<2048x2560xf32, #tpu.memory_space<hbm>> -> memref<1x2560xf32, #tpu.memory_space<hbm>>
    %dma_wait3A_71 = tpu.memref_squeeze %dma_wait3A_70 : memref<1x2560xf32, #tpu.memory_space<hbm>> -> memref<2560xf32, #tpu.memory_space<hbm>>
    tpu.wait_dma2 semaphore(%arg15 : memref<!tpu.dma_semaphore, #tpu.memory_space<semaphore_mem>>) src(%dma_wait3A_71 : memref<2560xf32, #tpu.memory_space<hbm>>) dst(%arg13 : memref<2560xf32, #tpu.memory_space<vmem>>)
    return
  }
}

module attributes {stable_mosaic.version = 14 : i64} {
  func.func @body(%arg0: i32, %arg1: memref<32x32xf32, #tpu.memory_space<vmem>>, %arg2: memref<32x2560xf32, #tpu.memory_space<vmem>>, %arg3: memref<32x2500xf32, #tpu.memory_space<vmem>>) attributes {dimension_semantics = [#tpu.dimension_semantics<arbitrary>], iteration_bounds = array<i64: 64>, scalar_prefetch = 0 : i64, scratch_operands = 0 : i64, tpu.core_type = #tpu.core_type<tc>, window_params = [{pipeline_mode = #tpu.pipeline_mode<synchronous>, transform_indices = @transform_0, window_bounds = array<i64: 32, 32>}, {transform_indices = @transform_1, window_bounds = array<i64: 32, 2560>}, {transform_indices = @transform_2, window_bounds = array<i64: 32, 2500>}]} {
    %get3A = arith.constant 0 : index
    %get3A_0 = arith.constant 0 : index
    %get3A_1 = vector.load %arg1[%get3A, %get3A_0] : memref<32x32xf32, #tpu.memory_space<vmem>>, vector<32x32xf32>
    %get3A_2 = arith.constant 0 : index
    %get3A_3 = arith.constant 0 : index
    %get3A_4 = vector.load %arg2[%get3A_2, %get3A_3] : memref<32x2560xf32, #tpu.memory_space<vmem>>, vector<32x2560xf32>
    %dot_general3A = arith.constant dense<0.000000e+00> : vector<32x2560xf32>
    %dot_general3A_5 = tpu.matmul %get3A_1, %get3A_4, %dot_general3A {dimension_numbers = #tpu.dot_dimension_numbers<[1], [0], [0], [1], [0, 0, 1, 1], [], []>, transpose_lhs_hint = false} : vector<32x32xf32>, vector<32x2560xf32>, vector<32x2560xf32> -> vector<32x2560xf32>
    %slice3A = vector.extract_strided_slice %dot_general3A_5 {offsets = [0, 0], sizes = [32, 2500], strides = [1, 1]} : vector<32x2560xf32> to vector<32x2500xf32>
    %swap3A = arith.constant 0 : index
    %swap3A_6 = arith.constant 0 : index
    %swap3A_7 = vector.load %arg3[%swap3A, %swap3A_6] : memref<32x2500xf32, #tpu.memory_space<vmem>>, vector<32x2500xf32>
    tpu.vector_store %arg3[%swap3A, %swap3A_6], %slice3A {strides = array<i32>} : memref<32x2500xf32, #tpu.memory_space<vmem>>, vector<32x2500xf32>,
    return
  }
  func.func @transform_0(%arg0: i32) -> (i32, i32) {
    %c0_i32 = arith.constant 0 : i32
    %c0_i32_0 = arith.constant 0 : i32
    %c0_i32_1 = arith.constant 0 : i32
    return %c0_i32, %c0_i32_0 : i32, i32
  }
  func.func @transform_1(%arg0: i32) -> (i32, i32) {
    %c0_i32 = arith.constant 0 : i32
    %c0_i32_0 = arith.constant 0 : i32
    return %arg0, %c0_i32 : i32, i32
  }
  func.func @transform_2(%arg0: i32) -> (i32, i32) {
    %c0_i32 = arith.constant 0 : i32
    %c0_i32_0 = arith.constant 0 : i32
    return %arg0, %c0_i32 : i32, i32
  }
}

</mosaic_0001>

<sc_bundles>
// kernel: kernel.4.cloned.1.call-start
scs
__scs_entry_jumppad:
0x0: {  	(pc) =	sbr.rel $0x88, $3  }
0x1: {  	(tag) =	ssettag $0x0;
	lr =	simm.s32 $0x1  }
0x2: {  	[smem:$0x3F9E] =	sst lr;
	_ =	strace $0xD0000000  }
0x3: {  	_ = 	snop  }
0x4: {  	_ = 	snop  }
0x5: {  	_ = 	snop  }
0x6: {  	_ = 	snop  }
0x7: {  	_ = 	snop  }
__scs_overlays_trampoline_lowered:
0x8: {  	[smem:$0x3FAD] =	sst s0  }
0x9: {  	[smem:$0x3FAE] =	sst s1  }
0xa: {  	[smem:$0x3FAF] =	sst s2  }
0xb: {  	[smem:$0x3FB0] =	sst s3  }
0xc: {  	[smem:$0x3FB1] =	sst s4  }
0xd: {  	[smem:$0x3FB2] =	sst s5  }
0xe: {  	[smem:$0x3FB3] =	sst s6  }
0xf: {  	[smem:$0x3FB4] =	sst s7  }
0x10: {  	[smem:$0x3FB5] =	sst s8  }
0x11: {  	[smem:$0x3FB6] =	sst s9;
	s0 =	simm.s32 @!p0 $0x0  }
0x12: {  	s1 =	sld [smem:$0x3F9C];
	s0 =	simm.s32 @p0 $0x1  }
0x13: {  	[smem:$0x3FB7] =	sst s0;
	s0 =	simm.s32 @!p1 $0x0  }
0x14: {  	s2 =	sld [smem:$0x3F9B];
	s0 =	simm.s32 @p1 $0x1  }
0x15: {  	[smem:$0x3FB8] =	sst s0;
	s0 =	simm.s32 @!p2 $0x0  }
0x16: {  	s3 =	sld [smem:$0x3FDB];
	s0 =	simm.s32 @p2 $0x1  }
0x17: {  	s4 =	simm.s32 $0x1BF5;
	[smem:$0x3FBA] =	sst s0  }
0x18: {  	s0 =	sld [smem:$0x3F9D];
	_ =	swait.ge [sflag:s4], $0x0  }
0x19: {  	s7 =	sld [smem:$0x3F9E]  }
0x1a: {  	s8 =	sadd.s32 $0xFFFFE003, lr  }
0x1b: {  	s9 =	sadd.s32 $0xFFFFFEF7, lr;
	s5 =	simm.s32 $0xFFFFFFFF;
	p2 =	slt.u32 s8, $0xFFFFF086  }
0x1c: {  	p1 =	slt.u32 s9, $0xF7A;
	s5 =	simm.s32 @!p2 $0x0  }
0x1d: {  	s5 =	simm.s32 @p1 $0x1;
	p0 =	seq.s32 s7, s2  }
0x1e: {  	s7 =	smul.u32 @!p0 $0xF7A, s2;
	p2 =	seq.s32 @!p0 s5, $0x0  }
0x1f: {  	s9 =	smul.u32 $0xF7A, s1;
	s8 =	simm.s32 @!p0 $0x1BF5;
	p2 =	por !p2, p0  }
0x20: {  	[sflag:s8] =	ssyncset.s32 @!p0 $0xFFFFF086;
	s6 =	sadd.s32 @!p0 s3, s7;
	s7 =	simm.s32 @!p0 $0x108  }
0x21: {  	s3 =	sadd.s32 s3, s9;
	s6 =	sadd.s32 @!p0 $0x88, s6;
	s7 =	simm.s32 @p2 $0x1082  }
0x22: {  	[simem:s7], [sflag:s8] =	dma.local @!p0 [hbm:s6], $0xF7A  }
0x23: {  	s9 =	sor.u32 $0xD0000000, s2;
	s6 =	simm.s32 $0x108;
	_ =	swait.ge @!p0 [sflag:s8], $0x0  }
0x24: {  	s3 =	sadd.s32 $0x88, s3;
	s6 =	simm.s32 @!p1 $0x1082;
	[sflag:s4] =	ssyncset.s32 $0xFFFFF086  }
0x25: {  	[simem:s6], [sflag:s4] =	dma.local [hbm:s3], $0xF7A  }
0x26: {  	[smem:$0x3F9E] =	sst s1;
	(tag) =	ssettag s2;
	_ =	strace s9  }
0x27: {  	s1 =	sld [smem:$0x3FAE]  }
0x28: {  	s2 =	sld [smem:$0x3FAF]  }
0x29: {  	s4 =	sld [smem:$0x3FB1]  }
0x2a: {  	p0 =	seq.s32 s5, $0x0;
	s5 =	sld [smem:$0x3FB2]  }
0x2b: {  	s6 =	sld [smem:$0x3FB3]  }
0x2c: {  	s7 =	sld [smem:$0x3FB4]  }
0x2d: {  	s3 =	simm.s32 $0x108;
	s8 =	sld [smem:$0x3FB5]  }
0x2e: {  	s3 =	simm.s32 @!p0 $0x1082;
	s9 =	sld [smem:$0x3FB6]  }
0x2f: {  	lr =	sadd.s32 s0, s3;
	s0 =	sld [smem:$0x3FAD]  }
0x30: {  	s3 =	sld [smem:$0x3FB0]  }
0x31: {  	[smem:$0x3FB9] =	sst s10  }
0x32: {  	s10 =	sld [smem:$0x3FB7];
	_ =	sdelay $0x3  }
0x33: {  	p0 =	seq.s32 s10, $0x1;
	s10 =	sld [smem:$0x3FB9];
	_ =	sdelay $0x3  }
0x34: {  	[smem:$0x3FB9] =	sst s10  }
0x35: {  	s10 =	sld [smem:$0x3FB8];
	_ =	sdelay $0x3  }
0x36: {  	p1 =	seq.s32 s10, $0x1;
	s10 =	sld [smem:$0x3FB9];
	_ =	sdelay $0x3  }
0x37: {  	[smem:$0x3FB9] =	sst s10  }
0x38: {  	s10 =	sld [smem:$0x3FBA]  }
0x39: {  	_ = 	snop;
	(pc) =	sbr.ind lr, $3  }
0x3a: {  	_ = 	snop  }
0x3b: {  	_ = 	snop  }
0x3c: {  	p2 =	seq.s32 s10, $0x1;
	s10 =	sld [smem:$0x3FB9]  }
0x3d: {  	_ =	shalt  }
0x3e: {  	_ =	shalt  }
0x3f: {  	_ =	shalt  }
0x40: {  	_ =	shalt  }
0x41: {  	_ =	shalt  }
0x42: {  	_ =	shalt  }
0x43: {  	_ =	shalt  }
0x44: {  	_ =	shalt  }
0x45: {  	_ =	shalt  }
0x46: {  	_ =	shalt  }
0x47: {  	_ =	shalt  }
0x48: {  	_ =	shalt  }
0x49: {  	_ =	shalt  }
0x4a: {  	_ =	shalt  }
0x4b: {  	_ =	shalt  }
0x4c: {  	_ =	shalt  }
0x4d: {  	_ =	shalt  }
0x4e: {  	_ =	shalt  }
0x4f: {  	_ =	shalt  }
0x50: {  	_ =	shalt  }
0x51: {  	_ =	shalt  }
0x52: {  	_ =	shalt  }
0x53: {  	_ =	shalt  }
0x54: {  	_ =	shalt  }
0x55: {  	_ =	shalt  }
0x56: {  	_ =	shalt  }
0x57: {  	_ =	shalt  }
0x58: {  	_ =	shalt  }
0x59: {  	_ =	shalt  }
0x5a: {  	_ =	shalt  }
0x5b: {  	_ =	shalt  }
0x5c: {  	_ =	shalt  }
0x5d: {  	_ =	shalt  }
0x5e: {  	_ =	shalt  }
0x5f: {  	_ =	shalt  }
0x60: {  	_ =	shalt  }
0x61: {  	_ =	shalt  }
0x62: {  	_ =	shalt  }
0x63: {  	_ =	shalt  }
0x64: {  	_ =	shalt  }
0x65: {  	_ =	shalt  }
0x66: {  	_ =	shalt  }
0x67: {  	_ =	shalt  }
0x68: {  	_ =	shalt  }
0x69: {  	_ =	shalt  }
0x6a: {  	_ =	shalt  }
0x6b: {  	_ =	shalt  }
0x6c: {  	_ =	shalt  }
0x6d: {  	_ =	shalt  }
0x6e: {  	_ =	shalt  }
0x6f: {  	_ =	shalt  }
0x70: {  	_ =	shalt  }
0x71: {  	_ =	shalt  }
0x72: {  	_ =	shalt  }
0x73: {  	_ =	shalt  }
0x74: {  	_ =	shalt  }
0x75: {  	_ =	shalt  }
0x76: {  	_ =	shalt  }
0x77: {  	_ =	shalt  }
0x78: {  	_ =	shalt  }
0x79: {  	_ =	shalt  }
0x7a: {  	_ =	shalt  }
0x7b: {  	_ =	shalt  }
0x7c: {  	_ =	shalt  }
0x7d: {  	_ =	shalt  }
0x7e: {  	_ =	shalt  }
0x7f: {  	_ =	shalt  }
0x80: {  	_ =	shalt  }
0x81: {  	_ =	shalt  }
0x82: {  	_ =	shalt  }
0x83: {  	_ =	shalt  }
0x84: {  	_ =	shalt  }
0x85: {  	_ =	shalt  }
0x86: {  	_ =	shalt  }
0x87: {  	_ =	shalt  }
.Lfunc_end0:
.L_simem_size_0:
called_computation_lowered:
.L_overlay_start_0:
0x88: {  	s2 =	sld [smem:$0x3FD9]  }
0x89: {  	s3 =	sld [smem:$0x3FFE];
	_ =	sdelay $0x1  }
0x8a: {  	s1 =	srdreg.scid  }
0x8b: {  	s0 =	sand.u32 $0x1, s1  }
0x8c: {  	s17 =	sshll.u32 s0, $0xA;
	s2 =	sadd.s32 s3, s2  }
0x8d: {  	s2 =	sadd.s32 s2, s17  }
0x8e: {  	[smem:$0x3FC5] =	sst s2  }
0x8f: {  	_ = 	snop  }
0x90: {  	s2 =	sld [smem:$0x3FC9]  }
0x91: {  	s18 =	sld [smem:$0x3FD0];
	(tm) =	ssettm $0x1  }
0x92: {  	s4 =	sld [smem:$0x3FFB];
	_ =	sdelay $0x3  }
0x93: {  	_ =	strace s4  }
0x94: {  	s4 =	sld [smem:$0x3FFC];
	_ =	sdelay $0x3  }
0x95: {  	_ =	strace s4  }
0x96: {  	s4 =	sld [smem:$0x3FFD];
	_ =	sdelay $0x3  }
0x97: {  	_ =	strace s4  }
0x98: {  	_ =	strace $0x8FFFFFFF  }
0x99: {  	s19 =	sld [smem:$0x3FDB];
	_ =	sdelay $0x1  }
0x9a: {  	s5 =	simm.s32 $_scs_section_size  }
0x9b: {  	s6 =	simm.s32 $_size__tile_overlayer_lowered;
	s7 =	simm.s32 $_tile_overlayer_lowered  }
0x9c: {  	s22 =	simm.s32 $0x1BFF;
	s21 =	sshll.u32 s7, $0x1;
	s4 =	sadd.s32 s5, s19  }
0x9d: {  	s8 =	simm.s32 $0x0;
	s20 =	sshll.u32 s6, $0x1;
	s6 =	sadd.s32 s21, s4  }
0x9e: {  	[timem:s8], [sflag:s22] =	dma.local [hbm:s6], s20  }
0x9f: {  	_ =	swait.ge [sflag:s22], s20  }
0xa0: {  	s5 =	ssub.s32 $0x0, s20;
	[sflag:s22] =	ssyncset.done $0x0  }
0xa1: {  	[sflag:s22] =	ssyncadd.s32 s5;
	_ =	sdelay $0x1  }
0xa2: {  	s23 =	simm.s32 $0x1B8B  }
0xa3: {  	_ =	swait.ge [sflag:s23], $0x1  }
0xa4: {  	[sflag:s23] =	ssyncset.done $0x0  }
0xa5: {  	s25 =	simm.s32 $0x1B8E;
	s24 =	sld [smem:$0x3FFE];
	[sflag:s23] =	ssyncadd.s32 $0xFFFFFFFF  }
0xa6: {  	s26 =	simm.s32 $execute0_lowered;
	[smem:$0x3FD2] =	sst s25  }
0xa7: {  	s6 =	sshll.u32 s26, $0x1;
	_ =	strace $0x80000046;
	[dreg:$0x1] =	wrdreg $0xFFFFFFFF  }
0xa8: {  	s28 =	simm.s32 $_size_execute0_lowered;
	s4 =	sadd.s32 s4, s6;
	[dreg:$0x0] =	wrdreg $0x0  }
0xa9: {  	s6 =	sshll.u32 s28, $0x1;
	[dreg:$0x2] =	wrdreg s4  }
0xaa: {  	[dreg:$0x3] =	wrdreg s6  }
0xab: {  	[dreg:$0x4] =	wrdreg $0xC0  }
0xac: {  	_ =	task [dreg:s8], $0x5FFFF  }
0xad: {  	[dreg:$0x1] =	wrdreg $0xFFFFFFFF  }
0xae: {  	[dreg:$0x0] =	wrdreg $0x60  }
0xaf: {  	[dreg:$0x2] =	wrdreg s2  }
0xb0: {  	[dreg:$0x3] =	wrdreg s24  }
0xb1: {  	[dreg:$0x4] =	wrdreg s18  }
0xb2: {  	[dreg:$0x5] =	wrdreg $0x9  }
0xb3: {  	_ =	task.clear_ibuf [dreg:s8], $0x6FFFF;
	_ =	strace $0x90000046  }
0xb4: {  	s29 =	simm.s32 $0x9;
	_ =	strace $0x80000048  }
0xb5: {  	_ =	swait.ge [sflag:s29], $0x1  }
0xb6: {  	[sflag:s29] =	ssyncadd.s32 $0xFFFFFFFF  }
0xb7: {  	_ =	strace $0x90000048  }
0xb8: {  	_ =	sfence  }
0xb9: {  	s30 =	sld [smem:$0x0];
	_ =	sdelay $0x2  }
0xba: {  	s31 =	sshll.u32 s1, $0xD;
	s1 =	sshrl.u32 s1, $0x2  }
0xbb: {  	s3 =	sand.u32 $0x4000, s31;
	s1 =	sadd.s32 s1, s30  }
0xbc: {  	s0 =	sor.u32 s3, s0;
	s1 =	sshll.u32 s1, $0x11  }
0xbd: {  	s0 =	sor.u32 s1, s0  }
0xbe: {  	s0 =	sadd.s32 $0x8F2B, s0  }
0xbf: {  	[sflag:s0] =	ssyncadd.remote.s32 $0x1  }
0xc0: {  	_ =	sfence.sel $0xFFFF  }
0xc1: {  	[dreg:$0x0] =	wrdreg $0xFFFFFFFF;
	(pc) =	sbr.abs _section_cstart, $3  }
0xc2: {  	[dreg:$0x1] =	wrdreg $0xFFFFFFFF  }
0xc3: {  	_ =	task.clear_ibuf [dreg:s8], $0x2FFFF;
	_ =	strace $0x9FFFFFFF  }
0xc4: {  	(tm) =	ssettm $0x7FFFFFFF  }
0xc5: {  	_ =	shalt  }
tec
execute0_lowered:
.L_overlay_start_1:
0x0: {  	(tag) =	ssettag $0x1  }
0x1: {  	s0 =	srdreg.scid;
	s1 =	rddreg [dreg:$0x0]  }
0x2: {  	s3 =	stileid.u32;
	s2 =	rddreg [dreg:$0x1];
	s12 =	simm.s32 $0x3  }
0x3: {  	s13 =	simm.s32 $0x80;
	s14 =	simm.s32 $0x400;
	s15 =	simm.s32 $0xC380  }
0x4: {  	s16 =	simm.s32 $0xEB00;
	s17 =	simm.s32 $0x11280;
	s18 =	simm.s32 $0x13A00  }
0x5: {  	s19 =	simm.s32 $0x1;
	s20 =	simm.s32 $0x16180;
	s21 =	simm.s32 $0x16B80  }
0x6: {  	s22 =	simm.s32 $0x17580;
	s23 =	simm.s32 $0x17F80;
	s0 =	sand.u32 $0x1, s0  }
0x7: {  	s24 =	simm.s32 $0x2;
	s4 =	sshll.u32 s3, $0x7;
	s5 =	sshll.u32 s0, $0x6  }
0x8: {  	s25 =	simm.s32 $0x0;
	s0 =	ssub.s32 $0x2, s0;
	s4 =	sor.u32 s5, s4  }
.Ltmp0:
0x9: {  	s5 =	simm.s32 $0x0;
	s6 =	sshrl.u32 s4, $0x3;
	(pc) =	sbr.rel .LBB2_1-.Ltmp0, $4  }
0xa: {  	s8 =	sshrl.u32 s0, $0x1;
	[smem:$0x7FF] =	sst s5;
	s7 =	smul.u32 $0x2780, s6  }
0xb: {  	v1 =	vlaneseq.u32;
	s3 =	rddreg [dreg:$0x2];
	s0 =	ssub.s32 s0, s8;
	_ =	strace $0x80000047  }
0xc: {  	v1 =	vmul.u32 $0xC33, v1;
	s6 =	sadd.s32 $0x400, s2;
	s11 =	smax.u32 s0, $0x1;
	s7 =	sadd.s32 s1, s7  }
0xd: {  	v0 =	vimm.f32 $0.0e+00;
	s8 =	sadd.s32 $0x10, s7;
	s9 =	sadd.s32 $0x20, s7;
	s10 =	sadd.s32 $0x30, s7  }
.LBB2_16:
0xe: {  	_ =	swait.ge [sflag:s24], $0xA00  }
0xf: {  	[sflag:s24] =	ssyncset.done $0x0  }
0x10: {  	[sflag:s24] =	ssyncadd.s32 $0xFFFFF600  }
0x11: {  	_ =	swait.ge [sflag:s24], $0xA00  }
0x12: {  	[sflag:s24] =	ssyncset.done $0x0  }
0x13: {  	s25 =	sadd.s32 $0x1, s25;
	[sflag:s24] =	ssyncadd.s32 $0xFFFFF600  }
0x14: {  	p0 =	sne.s32 s25, s11;
	_ =	swait.ge [sflag:s24], $0xA00  }
.Ltmp1:
0x15: {  	[sflag:s24] =	ssyncset.done $0x0;
	(pc) =	sbr.rel @!p0 .LBB2_17-.Ltmp1, $4  }
0x16: {  	[sflag:s24] =	ssyncadd.s32 $0xFFFFF600  }
0x17: {  	_ =	swait.ge [sflag:s24], $0xA00  }
0x18: {  	[sflag:s24] =	ssyncset.done $0x0  }
0x19: {  	[sflag:s24] =	ssyncadd.s32 $0xFFFFF600  }
.LBB2_1:
0x1a: {  	[tilespmem:s5], [sflag:$0x3] =	stream.linear.gather [hbm4b:s6+s5], $0xC380, $0x38;
	[tilespmem:$0x18980] =	vst v63  }
0x1b: {  	_ =	swait.ge [sflag:s12], $0xC380  }
0x1c: {  	[sflag:s12] =	ssyncset.done $0x0  }
0x1d: {  	[sflag:s12] =	ssyncadd.s32 $0xFFFF3C80  }
0x1e: {  	[tilespmem:s15], [sflag:$0x1] =	stream.strided.gather [hbm4b:s7+s13], $0x2780, s14, s13, $0x38;
	[tilespmem:$0x18980] =	vst v63  }
0x1f: {  	_ = 	snop  }
0x20: {  	[tilespmem:s16], [sflag:$0x1] =	stream.strided.gather [hbm4b:s8+s13], $0x2780, s14, s13, $0x38;
	[tilespmem:$0x18980] =	vst v63  }
0x21: {  	_ = 	snop  }
0x22: {  	[tilespmem:s17], [sflag:$0x1] =	stream.strided.gather [hbm4b:s9+s13], $0x2780, s14, s13, $0x38;
	[tilespmem:$0x18980] =	vst v63  }
0x23: {  	s26 =	simm.s32 $0x0  }
0x24: {  	[tilespmem:s18], [sflag:$0x1] =	stream.strided.gather [hbm4b:s10+s13], $0x2780, s14, s13, $0x38;
	[tilespmem:$0x18980] =	vst v63  }
.LBB2_2:
0x25: {  	_ =	swait.ge [sflag:s19], $0x2780  }
0x26: {  	[sflag:s19] =	ssyncset.done $0x0  }
0x27: {  	[sflag:s19] =	ssyncadd.s32 $0xFFFFD880  }
0x28: {  	_ =	swait.ge [sflag:s19], $0x2780  }
0x29: {  	p0 =	seq.s32 s26, $0x0;
	[sflag:s19] =	ssyncset.done $0x0  }
0x2a: {  	s0 =	simm.s32 @!p0 $0x2;
	[sflag:s19] =	ssyncadd.s32 $0xFFFFD880  }
0x2b: {  	_ =	swait.ge @!p0 [sflag:s0], $0xA00  }
0x2c: {  	[sflag:s0] =	ssyncset.done @!p0 $0x0  }
0x2d: {  	[sflag:s0] =	ssyncadd.s32 @!p0 $0xFFFFF600  }
0x2e: {  	_ =	swait.ge @!p0 [sflag:s0], $0xA00  }
0x2f: {  	[sflag:s0] =	ssyncset.done @!p0 $0x0  }
0x30: {  	[sflag:s0] =	ssyncadd.s32 @!p0 $0xFFFFF600;
	s0 =	simm.s32 $0x161A0  }
0x31: {  	[tilespmem:s0+$0xFFFFFFF0] =	vst v0  }
0x32: {  	[tilespmem:s0+$0x0] =	vst v0  }
0x33: {  	[tilespmem:s0+$0x10] =	vst v0  }
0x34: {  	s29 =	simm.s32 $0x16BA0;
	[tilespmem:s0+$0xFFFFFFE0] =	vst v0  }
0x35: {  	[tilespmem:s29+$0xFFFFFFF0] =	vst v0  }
0x36: {  	[tilespmem:s29+$0x0] =	vst v0  }
0x37: {  	s2 =	sshll.u32 s26, $0x2;
	[tilespmem:s29+$0x10] =	vst v0  }
0x38: {  	s30 =	simm.s32 $0x0;
	s31 =	simm.s32 $0x161E0;
	s28 =	sadd.s32 s4, s2;
	[tilespmem:s29+$0xFFFFFFE0] =	vst v0  }
.LBB2_3:
0x39: {  	[tilespmem:s31+$0xFFFFFFF0] =	vst v0;
	s29 =	sadd.s32 $0x40, s29  }
0x3a: {  	s30 =	sadd.s32 $0x4, s30;
	[tilespmem:s29+$0xFFFFFFF0] =	vst v0  }
0x3b: {  	p1 =	slt.u32 s30, $0x9C;
	[tilespmem:s31+$0x0] =	vst v0  }
.Ltmp2:
0x3c: {  	[tilespmem:s29+$0x0] =	vst v0;
	(pc) =	sbr.rel @p1 .LBB2_3-.Ltmp2, $4  }
0x3d: {  	[tilespmem:s31+$0x10] =	vst v0  }
0x3e: {  	[tilespmem:s29+$0x10] =	vst v0  }
0x3f: {  	[tilespmem:s31+$0xFFFFFFE0] =	vst v0  }
0x40: {  	s2 =	simm.s32 $0x0;
	s31 =	sadd.s32 $0x40, s31;
	[tilespmem:s29+$0xFFFFFFE0] =	vst v0  }
0x41: {  	v2 =	vadd.s32 s2, v1;
	s0 =	simm.s32 $0x1  }
0x42: {  	s2 =	simm.s32 $0x2;
	v3 =	vadd.s32 s0, v1  }
0x43: {  	s31 =	simm.s32 $0x3;
	v4 =	vadd.s32 s2, v1  }
0x44: {  	v5 =	vadd.s32 s31, v1;
	s2 =	simm.s32 $0x4  }
0x45: {  	s31 =	simm.s32 $0x5;
	v6 =	vadd.s32 s2, v1  }
0x46: {  	v7 =	vadd.s32 s31, v1;
	s2 =	simm.s32 $0x6;
	v2 =	vld.idx.msk [tilespmem:v2+s5+$0x0], $0xffff  }
0x47: {  	s31 =	simm.s32 $0x7;
	v8 =	vld.idx.msk [tilespmem:v3+s5+$0x0], $0xffff;
	v3 =	vadd.s32 s2, v1  }
0x48: {  	v9 =	vadd.s32 s31, v1;
	s31 =	simm.s32 $0x9;
	v4 =	vld.idx.msk [tilespmem:v4+s5+$0x0], $0xffff  }
0x49: {  	v11 =	vadd.s32 s31, v1;
	s2 =	simm.s32 $0x8;
	v5 =	vld.idx.msk [tilespmem:v5+s5+$0x0], $0xffff  }
0x4a: {  	v10 =	vadd.s32 s2, v1;
	v6 =	vld.idx.msk [tilespmem:v6+s5+$0x0], $0xffff;
	s2 =	simm.s32 $0xA  }
0x4b: {  	s31 =	simm.s32 $0xB;
	v7 =	vld.idx.msk [tilespmem:v7+s5+$0x0], $0xffff;
	v12 =	vadd.s32 s2, v1  }
0x4c: {  	v13 =	vld.idx.msk [tilespmem:v3+s5+$0x0], $0xffff;
	v3 =	vadd.s32 s31, v1  }
0x4d: {  	v9 =	vld.idx.msk [tilespmem:v9+s5+$0x0], $0xffff;
	v14 =	vand.u32 $0x3FFF, v2  }
0x4e: {  	v11 =	vld.idx.msk [tilespmem:v11+s5+$0x0], $0xffff;
	v15 =	vand.u32 $0x3FFF, v4  }
0x4f: {  	v16 =	vand.u32 $0x3FFF, v5;
	v10 =	vld.idx.msk [tilespmem:v10+s5+$0x0], $0xffff  }
0x50: {  	v20 =	vand.u32 $0x3FFF, v8;
	v12 =	vld.idx.msk [tilespmem:v12+s5+$0x0], $0xffff  }
0x51: {  	v17 =	vand.u32 $0x3FFF, v6;
	v19 =	vld.idx.msk [tilespmem:v3+s5+$0x0], $0xffff  }
0x52: {  	v18 =	vand.u32 $0x3FFF, v7;
	v3 =	vld.idx.msk [tilespmem:v14+s15+$0x0], $0xffff  }
0x53: {  	v24 =	vand.u32 $0x3FFF, v9;
	v22 =	vld.idx.msk [tilespmem:v15+s15+$0x0], $0xffff  }
0x54: {  	v56 =	vand.u32 $0x3FFF, v11;
	v23 =	vld.idx.msk [tilespmem:v16+s15+$0x0], $0xffff  }
0x55: {  	v21 =	vshrl.u32 v2, $0xE;
	v27 =	vld.idx.msk [tilespmem:v20+s15+$0x0], $0xffff  }
0x56: {  	v2 =	vshrl.u32 v4, $0xE;
	v25 =	vld.idx.msk [tilespmem:v17+s15+$0x0], $0xffff  }
0x57: {  	v29 =	vand.u32 $0x3FFF, v13;
	v26 =	vld.idx.msk [tilespmem:v18+s15+$0x0], $0xffff  }
0x58: {  	v31 =	vshrl.u32 v5, $0xE;
	v30 =	vld.idx.msk [tilespmem:v24+s15+$0x0], $0xffff  }
0x59: {  	v55 =	vshrl.u32 v8, $0xE;
	v57 =	vshrl.u32 v6, $0xE;
	v6 =	vld.idx.msk [tilespmem:v56+s15+$0x0], $0xffff  }
0x5a: {  	[tilespmem:v21+s20+$0x0] =	vst.idx.add.f32.msk $0xffff, v3  }
0x5b: {  	[tilespmem:v2+s20+$0x0] =	vst.idx.add.f32.msk $0xffff, v22  }
0x5c: {  	v28 =	vand.u32 $0x3FFF, v10;
	v8 =	vld.idx.msk [tilespmem:v29+s15+$0x0], $0xffff  }
0x5d: {  	[tilespmem:v31+s20+$0x0] =	vst.idx.add.f32.msk $0xffff, v23  }
0x5e: {  	[tilespmem:v55+s20+$0x0] =	vst.idx.add.f32.msk $0xffff, v27  }
0x5f: {  	v14 =	vld.idx.msk [tilespmem:v14+s16+$0x0], $0xffff  }
0x60: {  	v58 =	vshrl.u32 v9, $0xE;
	v5 =	vld.idx.msk [tilespmem:v15+s16+$0x0], $0xffff  }
0x61: {  	v3 =	vshrl.u32 v7, $0xE;
	v7 =	vld.idx.msk [tilespmem:v28+s15+$0x0], $0xffff  }
0x62: {  	v9 =	vshrl.u32 v10, $0xE;
	v10 =	vshrl.u32 v11, $0xE;
	v16 =	vld.idx.msk [tilespmem:v16+s16+$0x0], $0xffff  }
0x63: {  	[tilespmem:v57+s20+$0x0] =	vst.idx.add.f32.msk $0xffff, v25  }
0x64: {  	v62 =	vld.idx.msk [tilespmem:v20+s16+$0x0], $0xffff  }
0x65: {  	v4 =	vshrl.u32 v13, $0xE;
	[tilespmem:v58+s20+$0x0] =	vst.idx.add.f32.msk $0xffff, v30  }
0x66: {  	v11 =	vand.u32 $0x3FFF, v19;
	v59 =	vld.idx.msk [tilespmem:v24+s16+$0x0], $0xffff  }
0x67: {  	[tilespmem:v10+s20+$0x0] =	vst.idx.add.f32.msk $0xffff, v6  }
0x68: {  	v13 =	vld.idx.msk [tilespmem:v56+s16+$0x0], $0xffff  }
0x69: {  	[tilespmem:v3+s20+$0x0] =	vst.idx.add.f32.msk $0xffff, v26  }
0x6a: {  	[tilespmem:v4+s20+$0x0] =	vst.idx.add.f32.msk $0xffff, v8  }
0x6b: {  	v63 =	vld.idx.msk [tilespmem:v11+s15+$0x0], $0xffff  }
0x6c: {  	[tilespmem:v21+s21+$0x0] =	vst.idx.add.f32.msk $0xffff, v14  }
0x6d: {  	[tilespmem:v9+s20+$0x0] =	vst.idx.add.f32.msk $0xffff, v7  }
0x6e: {  	v8 =	vand.u32 $0x3FFF, v12;
	v7 =	vld.idx.msk [tilespmem:v17+s16+$0x0], $0xffff  }
0x6f: {  	[tilespmem:v55+s21+$0x0] =	vst.idx.add.f32.msk $0xffff, v62  }
0x70: {  	[tilespmem:v31+s21+$0x0] =	vst.idx.add.f32.msk $0xffff, v16  }
0x71: {  	v60 =	vld.idx.msk [tilespmem:v28+s16+$0x0], $0xffff  }
0x72: {  	[tilespmem:v58+s21+$0x0] =	vst.idx.add.f32.msk $0xffff, v59  }
0x73: {  	v6 =	vshrl.u32 v12, $0xE;
	v61 =	vld.idx.msk [tilespmem:v8+s15+$0x0], $0xffff  }
0x74: {  	[tilespmem:v10+s21+$0x0] =	vst.idx.add.f32.msk $0xffff, v13  }
0x75: {  	[tilespmem:v57+s21+$0x0] =	vst.idx.add.f32.msk $0xffff, v7;
	v7 =	vshrl.u32 v19, $0xE  }
0x76: {  	v10 =	vld.idx.msk [tilespmem:v29+s16+$0x0], $0xffff  }
0x77: {  	[tilespmem:v9+s21+$0x0] =	vst.idx.add.f32.msk $0xffff, v60  }
0x78: {  	[tilespmem:v6+s20+$0x0] =	vst.idx.add.f32.msk $0xffff, v61  }
0x79: {  	v8 =	vld.idx.msk [tilespmem:v8+s16+$0x0], $0xffff  }
0x7a: {  	[tilespmem:v7+s20+$0x0] =	vst.idx.add.f32.msk $0xffff, v63  }
0x7b: {  	v11 =	vld.idx.msk [tilespmem:v11+s16+$0x0], $0xffff  }
0x7c: {  	s30 =	simm.s32 $0xC;
	s29 =	simm.s32 $0xC30;
	v9 =	vld.idx.msk [tilespmem:v18+s16+$0x0], $0xffff  }
.LBB2_5:
0x7d: {  	s0 =	sadd.s32 $0x1, s30  }
0x7e: {  	v12 =	vadd.s32 s30, v1;
	p1 =	slt.u32 s30, $0xC24;
	[tilespmem:v6+s21+$0x0] =	vst.idx.add.f32.msk $0xffff, v8;
	s2 =	smov.u32 s30;
	s30 =	sadd.s32 $0xC, s30  }
0x7f: {  	v6 =	vadd.s32 s0, v1;
	s0 =	sadd.s32 $0x2, s2;
	[tilespmem:v2+s21+$0x0] =	vst.idx.add.f32.msk $0xffff, v5  }
0x80: {  	v2 =	vadd.s32 s0, v1;
	s0 =	sadd.s32 $0x3, s2;
	[tilespmem:v7+s21+$0x0] =	vst.idx.add.f32.msk $0xffff, v11  }
0x81: {  	v5 =	vadd.s32 s0, v1;
	s0 =	sadd.s32 $0x4, s2;
	[tilespmem:v4+s21+$0x0] =	vst.idx.add.f32.msk $0xffff, v10  }
0x82: {  	v4 =	vadd.s32 s0, v1;
	s0 =	sadd.s32 $0x5, s2;
	[tilespmem:v3+s21+$0x0] =	vst.idx.add.f32.msk $0xffff, v9  }
0x83: {  	v3 =	vld.idx.msk [tilespmem:v12+s5+$0x0], $0xffff;
	v7 =	vadd.s32 s0, v1;
	s0 =	sadd.s32 $0x6, s2  }
0x84: {  	v6 =	vld.idx.msk [tilespmem:v6+s5+$0x0], $0xffff;
	v8 =	vadd.s32 s0, v1;
	s0 =	sadd.s32 $0x7, s2  }
0x85: {  	v2 =	vld.idx.msk [tilespmem:v2+s5+$0x0], $0xffff;
	v9 =	vadd.s32 s0, v1;
	s0 =	sadd.s32 $0x8, s2  }
0x86: {  	v5 =	vld.idx.msk [tilespmem:v5+s5+$0x0], $0xffff;
	v10 =	vadd.s32 s0, v1;
	s0 =	sadd.s32 $0x9, s2  }
0x87: {  	v4 =	vld.idx.msk [tilespmem:v4+s5+$0x0], $0xffff;
	v11 =	vadd.s32 s0, v1;
	s0 =	sadd.s32 $0xA, s2  }
0x88: {  	v7 =	vld.idx.msk [tilespmem:v7+s5+$0x0], $0xffff;
	v12 =	vadd.s32 s0, v1;
	s0 =	sadd.s32 $0xB, s2  }
0x89: {  	v13 =	vand.u32 $0x3FFF, v3;
	v8 =	vld.idx.msk [tilespmem:v8+s5+$0x0], $0xffff;
	v14 =	vadd.s32 s0, v1  }
0x8a: {  	v15 =	vand.u32 $0x3FFF, v6;
	v9 =	vld.idx.msk [tilespmem:v9+s5+$0x0], $0xffff  }
0x8b: {  	v16 =	vand.u32 $0x3FFF, v2;
	v10 =	vld.idx.msk [tilespmem:v10+s5+$0x0], $0xffff  }
0x8c: {  	v17 =	vand.u32 $0x3FFF, v5;
	v11 =	vld.idx.msk [tilespmem:v11+s5+$0x0], $0xffff  }
0x8d: {  	v18 =	vshrl.u32 v4, $0xE;
	v19 =	vand.u32 $0x3FFF, v4;
	v12 =	vld.idx.msk [tilespmem:v12+s5+$0x0], $0xffff  }
0x8e: {  	v20 =	vand.u32 $0x3FFF, v7;
	v14 =	vld.idx.msk [tilespmem:v14+s5+$0x0], $0xffff  }
0x8f: {  	v21 =	vand.u32 $0x3FFF, v8;
	v4 =	vld.idx.msk [tilespmem:v13+s15+$0x0], $0xffff  }
0x90: {  	v22 =	vshrl.u32 v3, $0xE;
	v24 =	vand.u32 $0x3FFF, v9;
	v23 =	vld.idx.msk [tilespmem:v16+s15+$0x0], $0xffff  }
0x91: {  	v2 =	vshrl.u32 v2, $0xE;
	v26 =	vand.u32 $0x3FFF, v10;
	v25 =	vld.idx.msk [tilespmem:v17+s15+$0x0], $0xffff  }
0x92: {  	v27 =	vshrl.u32 v5, $0xE;
	v29 =	vand.u32 $0x3FFF, v11;
	v28 =	vld.idx.msk [tilespmem:v19+s15+$0x0], $0xffff  }
0x93: {  	v30 =	vld.idx.msk [tilespmem:v20+s15+$0x0], $0xffff  }
0x94: {  	v31 =	vld.idx.msk [tilespmem:v15+s15+$0x0], $0xffff  }
0x95: {  	v32 =	vshrl.u32 v6, $0xE;
	v3 =	vshrl.u32 v7, $0xE;
	[tilespmem:v22+s20+$0x0] =	vst.idx.add.f32.msk $0xffff, v4  }
0x96: {  	v6 =	vld.idx.msk [tilespmem:v13+s16+$0x0], $0xffff;
	v13 =	vshrl.u32 v9, $0xE  }
0x97: {  	v9 =	vshrl.u32 v10, $0xE;
	v7 =	vld.idx.msk [tilespmem:v24+s15+$0x0], $0xffff  }
0x98: {  	v4 =	vshrl.u32 v8, $0xE;
	[tilespmem:v2+s20+$0x0] =	vst.idx.add.f32.msk $0xffff, v23  }
0x99: {  	v5 =	vld.idx.msk [tilespmem:v16+s16+$0x0], $0xffff  }
0x9a: {  	v8 =	vld.idx.msk [tilespmem:v26+s15+$0x0], $0xffff  }
0x9b: {  	v16 =	vand.u32 $0x3FFF, v12;
	v10 =	vld.idx.msk [tilespmem:v21+s15+$0x0], $0xffff  }
0x9c: {  	v11 =	vshrl.u32 v11, $0xE;
	[tilespmem:v22+s21+$0x0] =	vst.idx.add.f32.msk $0xffff, v6  }
0x9d: {  	[tilespmem:v27+s20+$0x0] =	vst.idx.add.f32.msk $0xffff, v25  }
0x9e: {  	v17 =	vld.idx.msk [tilespmem:v17+s16+$0x0], $0xffff  }
0x9f: {  	[tilespmem:v3+s20+$0x0] =	vst.idx.add.f32.msk $0xffff, v30  }
0xa0: {  	[tilespmem:v32+s20+$0x0] =	vst.idx.add.f32.msk $0xffff, v31  }
0xa1: {  	[tilespmem:v4+s20+$0x0] =	vst.idx.add.f32.msk $0xffff, v10  }
0xa2: {  	v10 =	vand.u32 $0x3FFF, v14;
	v6 =	vld.idx.msk [tilespmem:v29+s15+$0x0], $0xffff  }
0xa3: {  	[tilespmem:v18+s20+$0x0] =	vst.idx.add.f32.msk $0xffff, v28  }
0xa4: {  	[tilespmem:v13+s20+$0x0] =	vst.idx.add.f32.msk $0xffff, v7  }
0xa5: {  	v22 =	vld.idx.msk [tilespmem:v24+s16+$0x0], $0xffff  }
0xa6: {  	[tilespmem:v9+s20+$0x0] =	vst.idx.add.f32.msk $0xffff, v8  }
0xa7: {  	v23 =	vld.idx.msk [tilespmem:v26+s16+$0x0], $0xffff  }
0xa8: {  	v7 =	vld.idx.msk [tilespmem:v19+s16+$0x0], $0xffff  }
0xa9: {  	v8 =	vld.idx.msk [tilespmem:v16+s15+$0x0], $0xffff  }
0xaa: {  	[tilespmem:v11+s20+$0x0] =	vst.idx.add.f32.msk $0xffff, v6;
	v6 =	vshrl.u32 v12, $0xE  }
0xab: {  	v12 =	vld.idx.msk [tilespmem:v15+s16+$0x0], $0xffff  }
0xac: {  	v15 =	vld.idx.msk [tilespmem:v10+s15+$0x0], $0xffff  }
0xad: {  	v19 =	vld.idx.msk [tilespmem:v29+s16+$0x0], $0xffff  }
0xae: {  	[tilespmem:v18+s21+$0x0] =	vst.idx.add.f32.msk $0xffff, v7  }
0xaf: {  	[tilespmem:v6+s20+$0x0] =	vst.idx.add.f32.msk $0xffff, v8  }
0xb0: {  	v7 =	vshrl.u32 v14, $0xE;
	v8 =	vld.idx.msk [tilespmem:v16+s16+$0x0], $0xffff  }
0xb1: {  	[tilespmem:v9+s21+$0x0] =	vst.idx.add.f32.msk $0xffff, v23  }
0xb2: {  	[tilespmem:v32+s21+$0x0] =	vst.idx.add.f32.msk $0xffff, v12  }
0xb3: {  	[tilespmem:v27+s21+$0x0] =	vst.idx.add.f32.msk $0xffff, v17  }
0xb4: {  	[tilespmem:v11+s21+$0x0] =	vst.idx.add.f32.msk $0xffff, v19  }
.Ltmp3:
0xb5: {  	[tilespmem:v7+s20+$0x0] =	vst.idx.add.f32.msk $0xffff, v15;
	(pc) =	sbr.rel @p1 .LBB2_5-.Ltmp3, $4  }
0xb6: {  	v11 =	vld.idx.msk [tilespmem:v10+s16+$0x0], $0xffff  }
0xb7: {  	v10 =	vld.idx.msk [tilespmem:v21+s16+$0x0], $0xffff  }
0xb8: {  	v9 =	vld.idx.msk [tilespmem:v20+s16+$0x0], $0xffff  }
0xb9: {  	[tilespmem:v13+s21+$0x0] =	vst.idx.add.f32.msk $0xffff, v22  }
0xba: {  	_ =	sdelay $0x3  }
0xbb: {  	[tilespmem:v6+s21+$0x0] =	vst.idx.add.f32.msk $0xffff, v8  }
0xbc: {  	[tilespmem:v2+s21+$0x0] =	vst.idx.add.f32.msk $0xffff, v5  }
0xbd: {  	[tilespmem:v7+s21+$0x0] =	vst.idx.add.f32.msk $0xffff, v11  }
0xbe: {  	[tilespmem:v4+s21+$0x0] =	vst.idx.add.f32.msk $0xffff, v10  }
0xbf: {  	[tilespmem:v3+s21+$0x0] =	vst.idx.add.f32.msk $0xffff, v9  }
.LBB2_7:
0xc0: {  	v2 =	vadd.s32 s29, v1;
	_ =	sdelay $0x4  }
0xc1: {  	v2 =	vld.idx.msk [tilespmem:v2+s5+$0x0], $0xffff;
	_ =	sdelay $0x4  }
0xc2: {  	v3 =	vand.u32 $0x3FFF, v2;
	_ =	sdelay $0x4  }
0xc3: {  	v2 =	vshrl.u32 v2, $0xE;
	v4 =	vld.idx.msk [tilespmem:v3+s15+$0x0], $0xffff;
	_ =	sdelay $0x4  }
0xc4: {  	[tilespmem:v2+s20+$0x0] =	vst.idx.add.f32.msk $0xffff, v4  }
0xc5: {  	p1 =	sne.s32 s29, $0xC32;
	v3 =	vld.idx.msk [tilespmem:v3+s16+$0x0], $0xffff  }
.Ltmp4:
0xc6: {  	_ = 	snop;
	(pc) =	sbr.rel @p1 .LBB2_7-.Ltmp4, $2  }
0xc7: {  	_ =	sdelay $0x2  }
0xc8: {  	s29 =	sadd.s32 $0x1, s29;
	[tilespmem:v2+s21+$0x0] =	vst.idx.add.f32.msk $0xffff, v3  }
0xc9: {  	s0 =	sshrl.u32 s28, $0x3  }
0xca: {  	s2 =	sshll.u32 s26, $0x9;
	s0 =	smul.u32 $0x5000, s0  }
0xcb: {  	s2 =	sand.u32 $0x200, s2  }
0xcc: {  	s0 =	sor.u32 s2, s0  }
0xcd: {  	s29 =	sshrl.u32 s0, $0x3  }
0xce: {  	s0 =	sadd.s32 s3, s29  }
0xcf: {  	[hbm4b:s0+s13] =	stream.strided.scatter [tilespmem:s20], [sflag:$0x2], $0xA00, s14, s13, $0x38;
	[tilespmem:$0x18980] =	vst v63  }
0xd0: {  	p1 =	seq.s32 s26, $0xF;
	s0 =	sadd.s32 $0x10, s0  }
0xd1: {  	[hbm4b:s0+s13] =	stream.strided.scatter [tilespmem:s21], [sflag:$0x2], $0xA00, s14, s13, $0x38;
	[tilespmem:$0x18980] =	vst v63  }
0xd2: {  	s0 =	sadd.s32 @!p1 $0x4, s28  }
0xd3: {  	s2 =	sshrl.u32 @!p1 s0, $0x3  }
0xd4: {  	s0 =	sshll.u32 @!p1 s0, $0x7;
	s2 =	smul.u32 @!p1 $0x13C00, s2  }
0xd5: {  	s0 =	sand.u32 @!p1 $0x200, s0  }
0xd6: {  	s0 =	sor.u32 @!p1 s0, s2  }
0xd7: {  	s30 =	simm.s32 @!p1 $0x400;
	s0 =	sshrl.u32 @!p1 s0, $0x3  }
0xd8: {  	s31 =	simm.s32 @!p1 $0xC380;
	s2 =	simm.s32 @!p1 $0x80;
	s0 =	sadd.s32 @!p1 s1, s0  }
0xd9: {  	[tilespmem:s31], [sflag:$0x1] =	stream.strided.gather @!p1 [hbm4b:s0+s2], $0x2780, s30, s2, $0x38;
	[tilespmem:$0x18980] =	vst v63  }
0xda: {  	s0 =	sadd.s32 @!p1 $0x5, s28  }
0xdb: {  	s31 =	sshrl.u32 @!p1 s0, $0x3  }
0xdc: {  	s0 =	sshll.u32 @!p1 s0, $0x7;
	s31 =	smul.u32 @!p1 $0x13C00, s31  }
0xdd: {  	s0 =	sand.u32 @!p1 $0x280, s0  }
0xde: {  	s0 =	sor.u32 @!p1 s0, s31  }
0xdf: {  	s0 =	sshrl.u32 @!p1 s0, $0x3  }
0xe0: {  	s31 =	simm.s32 @!p1 $0xEB00;
	s0 =	sadd.s32 @!p1 s1, s0  }
0xe1: {  	[tilespmem:s31], [sflag:$0x1] =	stream.strided.gather @!p1 [hbm4b:s0+s2], $0x2780, s30, s2, $0x38;
	[tilespmem:$0x18980] =	vst v63  }
0xe2: {  	_ =	swait.ge [sflag:s19], $0x2780  }
0xe3: {  	[sflag:s19] =	ssyncset.done $0x0  }
0xe4: {  	[sflag:s19] =	ssyncadd.s32 $0xFFFFD880  }
0xe5: {  	_ =	swait.ge [sflag:s19], $0x2780  }
0xe6: {  	[sflag:s19] =	ssyncset.done $0x0  }
0xe7: {  	s0 =	simm.s32 @!p0 $0x2;
	[sflag:s19] =	ssyncadd.s32 $0xFFFFD880  }
0xe8: {  	_ =	swait.ge @!p0 [sflag:s0], $0xA00  }
0xe9: {  	[sflag:s0] =	ssyncset.done @!p0 $0x0  }
0xea: {  	[sflag:s0] =	ssyncadd.s32 @!p0 $0xFFFFF600  }
0xeb: {  	_ =	swait.ge @!p0 [sflag:s0], $0xA00  }
0xec: {  	[sflag:s0] =	ssyncset.done @!p0 $0x0  }
0xed: {  	s2 =	simm.s32 $0x175A0;
	[sflag:s0] =	ssyncadd.s32 @!p0 $0xFFFFF600  }
0xee: {  	[tilespmem:s2+$0xFFFFFFF0] =	vst v0  }
0xef: {  	[tilespmem:s2+$0x0] =	vst v0  }
0xf0: {  	[tilespmem:s2+$0x10] =	vst v0  }
0xf1: {  	s30 =	simm.s32 $0x17FA0;
	[tilespmem:s2+$0xFFFFFFE0] =	vst v0  }
0xf2: {  	[tilespmem:s30+$0xFFFFFFF0] =	vst v0  }
0xf3: {  	[tilespmem:s30+$0x0] =	vst v0  }
0xf4: {  	[tilespmem:s30+$0x10] =	vst v0  }
0xf5: {  	s31 =	simm.s32 $0x0;
	s2 =	simm.s32 $0x175E0;
	[tilespmem:s30+$0xFFFFFFE0] =	vst v0  }
.LBB2_9:
0xf6: {  	[tilespmem:s2+$0xFFFFFFF0] =	vst v0;
	s30 =	sadd.s32 $0x40, s30  }
0xf7: {  	s31 =	sadd.s32 $0x4, s31;
	[tilespmem:s30+$0xFFFFFFF0] =	vst v0  }
0xf8: {  	p0 =	slt.u32 s31, $0x9C;
	[tilespmem:s2+$0x0] =	vst v0  }
.Ltmp5:
0xf9: {  	[tilespmem:s30+$0x0] =	vst v0;
	(pc) =	sbr.rel @p0 .LBB2_9-.Ltmp5, $4  }
0xfa: {  	[tilespmem:s2+$0x10] =	vst v0  }
0xfb: {  	[tilespmem:s30+$0x10] =	vst v0  }
0xfc: {  	[tilespmem:s2+$0xFFFFFFE0] =	vst v0  }
0xfd: {  	s0 =	simm.s32 $0x0;
	s2 =	sadd.s32 $0x40, s2;
	[tilespmem:s30+$0xFFFFFFE0] =	vst v0  }
0xfe: {  	v2 =	vadd.s32 s0, v1;
	s31 =	simm.s32 $0x1  }
0xff: {  	s2 =	simm.s32 $0x2;
	v3 =	vadd.s32 s31, v1  }
0x100: {  	v4 =	vadd.s32 s2, v1;
	s31 =	simm.s32 $0x3  }
0x101: {  	s2 =	simm.s32 $0x4;
	v5 =	vadd.s32 s31, v1  }
0x102: {  	v6 =	vadd.s32 s2, v1;
	s31 =	simm.s32 $0x5  }
0x103: {  	s2 =	simm.s32 $0x6;
	v7 =	vadd.s32 s31, v1;
	v2 =	vld.idx.msk [tilespmem:v2+s5+$0x0], $0xffff  }
0x104: {  	s31 =	simm.s32 $0x7;
	v8 =	vld.idx.msk [tilespmem:v3+s5+$0x0], $0xffff;
	v3 =	vadd.s32 s2, v1  }
0x105: {  	v9 =	vadd.s32 s31, v1;
	s31 =	simm.s32 $0x9;
	v4 =	vld.idx.msk [tilespmem:v4+s5+$0x0], $0xffff  }
0x106: {  	v11 =	vadd.s32 s31, v1;
	s2 =	simm.s32 $0x8;
	v5 =	vld.idx.msk [tilespmem:v5+s5+$0x0], $0xffff  }
0x107: {  	v10 =	vadd.s32 s2, v1;
	v6 =	vld.idx.msk [tilespmem:v6+s5+$0x0], $0xffff;
	s2 =	simm.s32 $0xA  }
0x108: {  	s31 =	simm.s32 $0xB;
	v7 =	vld.idx.msk [tilespmem:v7+s5+$0x0], $0xffff;
	v12 =	vadd.s32 s2, v1  }
0x109: {  	v13 =	vld.idx.msk [tilespmem:v3+s5+$0x0], $0xffff;
	v3 =	vadd.s32 s31, v1  }
0x10a: {  	v9 =	vld.idx.msk [tilespmem:v9+s5+$0x0], $0xffff;
	v14 =	vand.u32 $0x3FFF, v2  }
0x10b: {  	v11 =	vld.idx.msk [tilespmem:v11+s5+$0x0], $0xffff;
	v15 =	vand.u32 $0x3FFF, v4  }
0x10c: {  	v20 =	vand.u32 $0x3FFF, v8;
	v10 =	vld.idx.msk [tilespmem:v10+s5+$0x0], $0xffff  }
0x10d: {  	v16 =	vand.u32 $0x3FFF, v5;
	v12 =	vld.idx.msk [tilespmem:v12+s5+$0x0], $0xffff  }
0x10e: {  	v17 =	vand.u32 $0x3FFF, v6;
	v19 =	vld.idx.msk [tilespmem:v3+s5+$0x0], $0xffff  }
0x10f: {  	v18 =	vand.u32 $0x3FFF, v7;
	v3 =	vld.idx.msk [tilespmem:v14+s17+$0x0], $0xffff  }
0x110: {  	v24 =	vand.u32 $0x3FFF, v9;
	v22 =	vld.idx.msk [tilespmem:v15+s17+$0x0], $0xffff  }
0x111: {  	v56 =	vand.u32 $0x3FFF, v11;
	v27 =	vld.idx.msk [tilespmem:v20+s17+$0x0], $0xffff  }
0x112: {  	v21 =	vshrl.u32 v2, $0xE;
	v23 =	vld.idx.msk [tilespmem:v16+s17+$0x0], $0xffff  }
0x113: {  	v2 =	vshrl.u32 v4, $0xE;
	v25 =	vld.idx.msk [tilespmem:v17+s17+$0x0], $0xffff  }
0x114: {  	v29 =	vand.u32 $0x3FFF, v13;
	v26 =	vld.idx.msk [tilespmem:v18+s17+$0x0], $0xffff  }
0x115: {  	v55 =	vshrl.u32 v8, $0xE;
	v30 =	vld.idx.msk [tilespmem:v24+s17+$0x0], $0xffff  }
0x116: {  	v57 =	vshrl.u32 v6, $0xE;
	v6 =	vld.idx.msk [tilespmem:v56+s17+$0x0], $0xffff  }
0x117: {  	[tilespmem:v21+s22+$0x0] =	vst.idx.add.f32.msk $0xffff, v3  }
0x118: {  	v28 =	vand.u32 $0x3FFF, v10;
	[tilespmem:v2+s22+$0x0] =	vst.idx.add.f32.msk $0xffff, v22  }
0x119: {  	v31 =	vshrl.u32 v5, $0xE;
	v8 =	vld.idx.msk [tilespmem:v29+s17+$0x0], $0xffff  }
0x11a: {  	[tilespmem:v55+s22+$0x0] =	vst.idx.add.f32.msk $0xffff, v27  }
0x11b: {  	v14 =	vld.idx.msk [tilespmem:v14+s18+$0x0], $0xffff  }
0x11c: {  	v5 =	vld.idx.msk [tilespmem:v15+s18+$0x0], $0xffff  }
0x11d: {  	v58 =	vshrl.u32 v9, $0xE;
	v3 =	vshrl.u32 v7, $0xE;
	v7 =	vld.idx.msk [tilespmem:v28+s17+$0x0], $0xffff  }
0x11e: {  	[tilespmem:v31+s22+$0x0] =	vst.idx.add.f32.msk $0xffff, v23  }
0x11f: {  	v9 =	vshrl.u32 v10, $0xE;
	v10 =	vshrl.u32 v11, $0xE;
	[tilespmem:v57+s22+$0x0] =	vst.idx.add.f32.msk $0xffff, v25  }
0x120: {  	v62 =	vld.idx.msk [tilespmem:v20+s18+$0x0], $0xffff  }
0x121: {  	v4 =	vshrl.u32 v13, $0xE;
	v16 =	vld.idx.msk [tilespmem:v16+s18+$0x0], $0xffff  }
0x122: {  	v11 =	vand.u32 $0x3FFF, v19;
	[tilespmem:v58+s22+$0x0] =	vst.idx.add.f32.msk $0xffff, v30  }
0x123: {  	v59 =	vld.idx.msk [tilespmem:v24+s18+$0x0], $0xffff  }
0x124: {  	[tilespmem:v10+s22+$0x0] =	vst.idx.add.f32.msk $0xffff, v6  }
0x125: {  	[tilespmem:v3+s22+$0x0] =	vst.idx.add.f32.msk $0xffff, v26  }
0x126: {  	[tilespmem:v4+s22+$0x0] =	vst.idx.add.f32.msk $0xffff, v8  }
0x127: {  	v63 =	vld.idx.msk [tilespmem:v11+s17+$0x0], $0xffff  }
0x128: {  	v13 =	vld.idx.msk [tilespmem:v56+s18+$0x0], $0xffff  }
0x129: {  	[tilespmem:v21+s23+$0x0] =	vst.idx.add.f32.msk $0xffff, v14  }
0x12a: {  	[tilespmem:v9+s22+$0x0] =	vst.idx.add.f32.msk $0xffff, v7  }
0x12b: {  	v8 =	vand.u32 $0x3FFF, v12;
	v7 =	vld.idx.msk [tilespmem:v17+s18+$0x0], $0xffff  }
0x12c: {  	[tilespmem:v55+s23+$0x0] =	vst.idx.add.f32.msk $0xffff, v62  }
0x12d: {  	v60 =	vld.idx.msk [tilespmem:v28+s18+$0x0], $0xffff  }
0x12e: {  	[tilespmem:v31+s23+$0x0] =	vst.idx.add.f32.msk $0xffff, v16  }
0x12f: {  	[tilespmem:v58+s23+$0x0] =	vst.idx.add.f32.msk $0xffff, v59  }
0x130: {  	v6 =	vshrl.u32 v12, $0xE;
	v61 =	vld.idx.msk [tilespmem:v8+s17+$0x0], $0xffff  }
0x131: {  	[tilespmem:v10+s23+$0x0] =	vst.idx.add.f32.msk $0xffff, v13  }
0x132: {  	[tilespmem:v57+s23+$0x0] =	vst.idx.add.f32.msk $0xffff, v7;
	v7 =	vshrl.u32 v19, $0xE  }
0x133: {  	v10 =	vld.idx.msk [tilespmem:v29+s18+$0x0], $0xffff  }
0x134: {  	[tilespmem:v9+s23+$0x0] =	vst.idx.add.f32.msk $0xffff, v60  }
0x135: {  	[tilespmem:v6+s22+$0x0] =	vst.idx.add.f32.msk $0xffff, v61  }
0x136: {  	v8 =	vld.idx.msk [tilespmem:v8+s18+$0x0], $0xffff  }
0x137: {  	[tilespmem:v7+s22+$0x0] =	vst.idx.add.f32.msk $0xffff, v63  }
0x138: {  	v11 =	vld.idx.msk [tilespmem:v11+s18+$0x0], $0xffff  }
0x139: {  	s30 =	simm.s32 $0xC;
	v9 =	vld.idx.msk [tilespmem:v18+s18+$0x0], $0xffff  }
.LBB2_11:
0x13a: {  	s0 =	sadd.s32 $0x1, s30  }
0x13b: {  	v12 =	vadd.s32 s30, v1;
	p0 =	slt.u32 s30, $0xC24;
	[tilespmem:v6+s23+$0x0] =	vst.idx.add.f32.msk $0xffff, v8;
	s2 =	smov.u32 s30;
	s30 =	sadd.s32 $0xC, s30  }
0x13c: {  	v6 =	vadd.s32 s0, v1;
	s0 =	sadd.s32 $0x2, s2;
	[tilespmem:v2+s23+$0x0] =	vst.idx.add.f32.msk $0xffff, v5  }
0x13d: {  	v2 =	vadd.s32 s0, v1;
	s0 =	sadd.s32 $0x3, s2;
	[tilespmem:v7+s23+$0x0] =	vst.idx.add.f32.msk $0xffff, v11  }
0x13e: {  	v5 =	vadd.s32 s0, v1;
	s0 =	sadd.s32 $0x4, s2;
	[tilespmem:v4+s23+$0x0] =	vst.idx.add.f32.msk $0xffff, v10  }
0x13f: {  	v4 =	vadd.s32 s0, v1;
	s0 =	sadd.s32 $0x5, s2;
	[tilespmem:v3+s23+$0x0] =	vst.idx.add.f32.msk $0xffff, v9  }
0x140: {  	v3 =	vld.idx.msk [tilespmem:v12+s5+$0x0], $0xffff;
	v7 =	vadd.s32 s0, v1;
	s0 =	sadd.s32 $0x6, s2  }
0x141: {  	v6 =	vld.idx.msk [tilespmem:v6+s5+$0x0], $0xffff;
	v8 =	vadd.s32 s0, v1;
	s0 =	sadd.s32 $0x7, s2  }
0x142: {  	v2 =	vld.idx.msk [tilespmem:v2+s5+$0x0], $0xffff;
	v9 =	vadd.s32 s0, v1;
	s0 =	sadd.s32 $0x8, s2  }
0x143: {  	v5 =	vld.idx.msk [tilespmem:v5+s5+$0x0], $0xffff;
	v10 =	vadd.s32 s0, v1;
	s0 =	sadd.s32 $0x9, s2  }
0x144: {  	v4 =	vld.idx.msk [tilespmem:v4+s5+$0x0], $0xffff;
	v11 =	vadd.s32 s0, v1;
	s0 =	sadd.s32 $0xA, s2  }
0x145: {  	v7 =	vld.idx.msk [tilespmem:v7+s5+$0x0], $0xffff;
	v12 =	vadd.s32 s0, v1;
	s0 =	sadd.s32 $0xB, s2  }
0x146: {  	v13 =	vand.u32 $0x3FFF, v3;
	v8 =	vld.idx.msk [tilespmem:v8+s5+$0x0], $0xffff;
	v14 =	vadd.s32 s0, v1  }
0x147: {  	v15 =	vand.u32 $0x3FFF, v6;
	v9 =	vld.idx.msk [tilespmem:v9+s5+$0x0], $0xffff  }
0x148: {  	v16 =	vand.u32 $0x3FFF, v2;
	v10 =	vld.idx.msk [tilespmem:v10+s5+$0x0], $0xffff  }
0x149: {  	v17 =	vand.u32 $0x3FFF, v5;
	v11 =	vld.idx.msk [tilespmem:v11+s5+$0x0], $0xffff  }
0x14a: {  	v18 =	vshrl.u32 v4, $0xE;
	v19 =	vand.u32 $0x3FFF, v4;
	v12 =	vld.idx.msk [tilespmem:v12+s5+$0x0], $0xffff  }
0x14b: {  	v20 =	vand.u32 $0x3FFF, v7;
	v14 =	vld.idx.msk [tilespmem:v14+s5+$0x0], $0xffff  }
0x14c: {  	v21 =	vand.u32 $0x3FFF, v8;
	v4 =	vld.idx.msk [tilespmem:v13+s17+$0x0], $0xffff  }
0x14d: {  	v22 =	vshrl.u32 v3, $0xE;
	v24 =	vand.u32 $0x3FFF, v9;
	v23 =	vld.idx.msk [tilespmem:v16+s17+$0x0], $0xffff  }
0x14e: {  	v2 =	vshrl.u32 v2, $0xE;
	v26 =	vand.u32 $0x3FFF, v10;
	v25 =	vld.idx.msk [tilespmem:v17+s17+$0x0], $0xffff  }
0x14f: {  	v27 =	vshrl.u32 v5, $0xE;
	v29 =	vand.u32 $0x3FFF, v11;
	v28 =	vld.idx.msk [tilespmem:v19+s17+$0x0], $0xffff  }
0x150: {  	v30 =	vld.idx.msk [tilespmem:v20+s17+$0x0], $0xffff  }
0x151: {  	v31 =	vld.idx.msk [tilespmem:v15+s17+$0x0], $0xffff  }
0x152: {  	v32 =	vshrl.u32 v6, $0xE;
	v3 =	vshrl.u32 v7, $0xE;
	[tilespmem:v22+s22+$0x0] =	vst.idx.add.f32.msk $0xffff, v4  }
0x153: {  	v6 =	vld.idx.msk [tilespmem:v13+s18+$0x0], $0xffff;
	v13 =	vshrl.u32 v9, $0xE  }
0x154: {  	v9 =	vshrl.u32 v10, $0xE;
	v7 =	vld.idx.msk [tilespmem:v24+s17+$0x0], $0xffff  }
0x155: {  	v4 =	vshrl.u32 v8, $0xE;
	[tilespmem:v2+s22+$0x0] =	vst.idx.add.f32.msk $0xffff, v23  }
0x156: {  	v5 =	vld.idx.msk [tilespmem:v16+s18+$0x0], $0xffff  }
0x157: {  	v8 =	vld.idx.msk [tilespmem:v26+s17+$0x0], $0xffff  }
0x158: {  	v16 =	vand.u32 $0x3FFF, v12;
	v10 =	vld.idx.msk [tilespmem:v21+s17+$0x0], $0xffff  }
0x159: {  	v11 =	vshrl.u32 v11, $0xE;
	[tilespmem:v22+s23+$0x0] =	vst.idx.add.f32.msk $0xffff, v6  }
0x15a: {  	[tilespmem:v27+s22+$0x0] =	vst.idx.add.f32.msk $0xffff, v25  }
0x15b: {  	v17 =	vld.idx.msk [tilespmem:v17+s18+$0x0], $0xffff  }
0x15c: {  	[tilespmem:v3+s22+$0x0] =	vst.idx.add.f32.msk $0xffff, v30  }
0x15d: {  	[tilespmem:v32+s22+$0x0] =	vst.idx.add.f32.msk $0xffff, v31  }
0x15e: {  	[tilespmem:v4+s22+$0x0] =	vst.idx.add.f32.msk $0xffff, v10  }
0x15f: {  	v10 =	vand.u32 $0x3FFF, v14;
	v6 =	vld.idx.msk [tilespmem:v29+s17+$0x0], $0xffff  }
0x160: {  	[tilespmem:v18+s22+$0x0] =	vst.idx.add.f32.msk $0xffff, v28  }
0x161: {  	[tilespmem:v13+s22+$0x0] =	vst.idx.add.f32.msk $0xffff, v7  }
0x162: {  	v22 =	vld.idx.msk [tilespmem:v24+s18+$0x0], $0xffff  }
0x163: {  	[tilespmem:v9+s22+$0x0] =	vst.idx.add.f32.msk $0xffff, v8  }
0x164: {  	v23 =	vld.idx.msk [tilespmem:v26+s18+$0x0], $0xffff  }
0x165: {  	v7 =	vld.idx.msk [tilespmem:v19+s18+$0x0], $0xffff  }
0x166: {  	v8 =	vld.idx.msk [tilespmem:v16+s17+$0x0], $0xffff  }
0x167: {  	[tilespmem:v11+s22+$0x0] =	vst.idx.add.f32.msk $0xffff, v6;
	v6 =	vshrl.u32 v12, $0xE  }
0x168: {  	v12 =	vld.idx.msk [tilespmem:v15+s18+$0x0], $0xffff  }
0x169: {  	v15 =	vld.idx.msk [tilespmem:v10+s17+$0x0], $0xffff  }
0x16a: {  	v19 =	vld.idx.msk [tilespmem:v29+s18+$0x0], $0xffff  }
0x16b: {  	[tilespmem:v18+s23+$0x0] =	vst.idx.add.f32.msk $0xffff, v7  }
0x16c: {  	[tilespmem:v6+s22+$0x0] =	vst.idx.add.f32.msk $0xffff, v8  }
0x16d: {  	v7 =	vshrl.u32 v14, $0xE;
	v8 =	vld.idx.msk [tilespmem:v16+s18+$0x0], $0xffff  }
0x16e: {  	[tilespmem:v9+s23+$0x0] =	vst.idx.add.f32.msk $0xffff, v23  }
0x16f: {  	[tilespmem:v32+s23+$0x0] =	vst.idx.add.f32.msk $0xffff, v12  }
0x170: {  	[tilespmem:v27+s23+$0x0] =	vst.idx.add.f32.msk $0xffff, v17  }
0x171: {  	[tilespmem:v11+s23+$0x0] =	vst.idx.add.f32.msk $0xffff, v19  }
.Ltmp6:
0x172: {  	[tilespmem:v7+s22+$0x0] =	vst.idx.add.f32.msk $0xffff, v15;
	(pc) =	sbr.rel @p0 .LBB2_11-.Ltmp6, $4  }
0x173: {  	v11 =	vld.idx.msk [tilespmem:v10+s18+$0x0], $0xffff  }
0x174: {  	v10 =	vld.idx.msk [tilespmem:v21+s18+$0x0], $0xffff  }
0x175: {  	v9 =	vld.idx.msk [tilespmem:v20+s18+$0x0], $0xffff  }
0x176: {  	s2 =	simm.s32 $0xC30;
	[tilespmem:v13+s23+$0x0] =	vst.idx.add.f32.msk $0xffff, v22  }
0x177: {  	_ =	sdelay $0x3  }
0x178: {  	[tilespmem:v6+s23+$0x0] =	vst.idx.add.f32.msk $0xffff, v8  }
0x179: {  	[tilespmem:v2+s23+$0x0] =	vst.idx.add.f32.msk $0xffff, v5  }
0x17a: {  	[tilespmem:v7+s23+$0x0] =	vst.idx.add.f32.msk $0xffff, v11  }
0x17b: {  	[tilespmem:v4+s23+$0x0] =	vst.idx.add.f32.msk $0xffff, v10  }
0x17c: {  	[tilespmem:v3+s23+$0x0] =	vst.idx.add.f32.msk $0xffff, v9  }
.LBB2_13:
0x17d: {  	v2 =	vadd.s32 s2, v1;
	_ =	sdelay $0x4  }
0x17e: {  	v2 =	vld.idx.msk [tilespmem:v2+s5+$0x0], $0xffff;
	_ =	sdelay $0x4  }
0x17f: {  	v3 =	vand.u32 $0x3FFF, v2;
	_ =	sdelay $0x4  }
0x180: {  	v2 =	vshrl.u32 v2, $0xE;
	v4 =	vld.idx.msk [tilespmem:v3+s17+$0x0], $0xffff;
	_ =	sdelay $0x4  }
0x181: {  	[tilespmem:v2+s22+$0x0] =	vst.idx.add.f32.msk $0xffff, v4  }
0x182: {  	p0 =	sne.s32 s2, $0xC32;
	v3 =	vld.idx.msk [tilespmem:v3+s18+$0x0], $0xffff  }
.Ltmp7:
0x183: {  	_ = 	snop;
	(pc) =	sbr.rel @p0 .LBB2_13-.Ltmp7, $2  }
0x184: {  	_ =	sdelay $0x2  }
0x185: {  	s2 =	sadd.s32 $0x1, s2;
	[tilespmem:v2+s23+$0x0] =	vst.idx.add.f32.msk $0xffff, v3  }
.Ltmp8:
0x186: {  	s0 =	sadd.s32 s29, s3;
	(pc) =	sbr.rel @p1 .LBB2_16-.Ltmp8, $4  }
0x187: {  	s2 =	sadd.s32 $0x20, s0  }
0x188: {  	[hbm4b:s2+s13] =	stream.strided.scatter [tilespmem:s22], [sflag:$0x2], $0xA00, s14, s13, $0x38;
	[tilespmem:$0x18980] =	vst v63  }
0x189: {  	s0 =	sadd.s32 $0x30, s0  }
0x18a: {  	[hbm4b:s0+s13] =	stream.strided.scatter [tilespmem:s23], [sflag:$0x2], $0xA00, s14, s13, $0x38;
	[tilespmem:$0x18980] =	vst v63  }
0x18b: {  	s0 =	sadd.s32 $0x6, s28  }
0x18c: {  	s2 =	sshrl.u32 s0, $0x3  }
0x18d: {  	s0 =	sshll.u32 s0, $0x7;
	s2 =	smul.u32 $0x13C00, s2  }
0x18e: {  	s0 =	sand.u32 $0x300, s0  }
0x18f: {  	s0 =	sor.u32 s0, s2  }
0x190: {  	s30 =	sadd.s32 $0x7, s28;
	s0 =	sshrl.u32 s0, $0x3  }
0x191: {  	s31 =	sshrl.u32 s30, $0x3;
	s0 =	sadd.s32 s1, s0  }
0x192: {  	[tilespmem:s17], [sflag:$0x1] =	stream.strided.gather [hbm4b:s0+s13], $0x2780, s14, s13, $0x38;
	[tilespmem:$0x18980] =	vst v63  }
0x193: {  	s2 =	smul.u32 $0x13C00, s31;
	s0 =	sshll.u32 s30, $0x7  }
.Ltmp9:
0x194: {  	s0 =	sand.u32 $0x380, s0;
	(pc) =	sbr.rel .LBB2_2-.Ltmp9, $4  }
0x195: {  	s0 =	sor.u32 s0, s2  }
0x196: {  	s0 =	sshrl.u32 s0, $0x3  }
0x197: {  	s26 =	sadd.s32 $0x1, s26;
	s0 =	sadd.s32 s1, s0  }
0x198: {  	[tilespmem:s18], [sflag:$0x1] =	stream.strided.gather [hbm4b:s0+s13], $0x2780, s14, s13, $0x38;
	[tilespmem:$0x18980] =	vst v63  }
.LBB2_17:
0x199: {  	_ =	sfence.sel $0x180000  }
0x19a: {  	[bflag:$0x0] =	sbarrier.arrive $0xFFFF  }
0x19b: {  	_ =	strace $0x90000047  }
0x19c: {  	s0 =	stileid.u32;
	[bflag:$0x2] =	sbarrier.arrive $0xFFFF  }
0x19d: {  	p0 =	sne.s32 s0, $0x0;
	s0 =	rddreg [dreg:$0x3]  }
0x19e: {  	s0 =	sadd.s32 @!p0 $0x100000, s0  }
0x19f: {  	[sflag:s0] =	ssyncadd.tile.s32 @!p0 $0x1;
	_ =	shalt  }
.Lfunc_end2:
_tile_overlayer_lowered:
.L_overlay_start_2:
0x1a0: {  	(tag) =	ssettag $0x2  }
0x1a1: {  	s0 =	rddreg [dreg:$0x0];
	s2 =	stileid.u32  }
0x1a2: {  	s1 =	rddreg [dreg:$0x1];
	p0 =	sne.s32 s2, $0x0  }
0x1a3: {  	s3 =	rddreg [dreg:$0x2];
	[bflag:$0x3] =	sbarrier.arrive $0xFFFF;
	s2 =	simm.s32 @!p0 $0x1C03  }
0x1a4: {  	[timem:s3], [sflag:s2] =	dma.local @!p0 [hbm:s0], s1  }
0x1a5: {  	s0 =	simm.s32 @!p0 $0x3  }
0x1a6: {  	_ =	swait.ge @!p0 [sflag:s0], s1  }
0x1a7: {  	s1 =	ssub.s32 @!p0 $0x0, s1;
	[sflag:s0] =	ssyncset.done @!p0 $0x0  }
0x1a8: {  	[sflag:s0] =	ssyncadd.s32 @!p0 s1  }
0x1a9: {  	[bflag:$0x3] =	sbarrier.arrive $0xFFFF  }
0x1aa: {  	_ =	shalt  }

</sc_bundles>
